<compile_context>
chip_gen: v7x
topology: tpu7x:2x2x1
jax: 0.10.2.dev20260603
libtpu: 0.0.44.dev20260713+nightly
codegen_flags: <defaults>
</compile_context>

<pallas_src>
import functools

import jax
import jax.numpy as jnp
from jax import lax
from jax.experimental import pallas as pl
from jax.experimental.pallas import tpu as pltpu
from jax.experimental.pallas import tpu_sc as plsc

NUM_USERS = 100000
NUM_ITEMS = 100000
EMB = 64
T = 3
BATCH = 16384
LAMB = 0.5

NC = 2
NS = 16
NW = NC * NS
BPW = BATCH // NW
CHUNK = 128
NCHUNK = BPW // CHUNK
PW = 2 * EMB

_SC_MESH = plsc.VectorSubcoreMesh(core_axis_name="c", subcore_axis_name="s")


@functools.partial(
    pl.kernel,
    out_type=jax.ShapeDtypeStruct((2, BATCH, PW), jnp.float32),
    mesh=_SC_MESH,
    scratch_types=[
        pltpu.VMEM((NCHUNK, CHUNK), jnp.int32),
        pltpu.VMEM((BPW, PW), jnp.float32),
        pltpu.SemaphoreType.DMA,
    ],
    compiler_params=pltpu.CompilerParams(use_tc_tiling_on_sc=False),
)
def _sc_gather(planes, idx, out, idx_v, rows_v, sem):
    wid = lax.axis_index("s") * NC + lax.axis_index("c")
    for g in range(2):
        pltpu.sync_copy(idx.at[g, wid], idx_v)
        copies = [
            pltpu.async_copy(
                planes.at[idx_v.at[j]],
                rows_v.at[pl.ds(j * CHUNK, CHUNK)],
                sem,
            )
            for j in range(NCHUNK)
        ]
        for c in copies:
            c.wait()
        pltpu.sync_copy(rows_v, out.at[g, pl.ds(wid * BPW, BPW)])


TN = 4096


def _transpose_body(ult_ref, ilt_ref, umt_ref, sst_ref, out_ref):
    def rne(v):
        u = lax.bitcast_convert_type(v, jnp.uint32)
        r = u + jnp.uint32(0x7FFF) + ((u >> 16) & jnp.uint32(1))
        return r & jnp.uint32(0xFFFF0000)

    def pk(a, b):
        w = rne(a) | (rne(b) >> 16)
        return jnp.transpose(lax.bitcast_convert_type(w, jnp.float32),
                             (1, 0))

    out_ref[0] = jnp.concatenate(
        [pk(ult_ref[...], umt_ref[0]), pk(umt_ref[1], umt_ref[2])], axis=1)
    out_ref[1] = jnp.concatenate(
        [pk(ilt_ref[...], sst_ref[0]), pk(sst_ref[1], sst_ref[2])], axis=1)


def _transpose_all(ult, ilt, umt, sst):
    nb = (NUM_USERS + TN - 1) // TN
    return pl.pallas_call(
        _transpose_body,
        grid=(nb,),
        in_specs=[
            pl.BlockSpec((EMB, TN), lambda i: (0, i)),
            pl.BlockSpec((EMB, TN), lambda i: (0, i)),
            pl.BlockSpec((T, EMB, TN), lambda i: (0, 0, i)),
            pl.BlockSpec((T, EMB, TN), lambda i: (0, 0, i)),
        ],
        out_specs=pl.BlockSpec((2, TN, PW), lambda i: (0, i, 0)),
        out_shape=jax.ShapeDtypeStruct((2, NUM_USERS, PW), jnp.float32),
    )(ult, ilt, umt, sst)


BLK = 4096


def _tc_body(rows_ref, m_ref, out_ref):
    def unpk(r, k):
        w = lax.bitcast_convert_type(
            r[:, k * EMB:(k + 1) * EMB], jnp.uint32)
        hi = lax.bitcast_convert_type(w & jnp.uint32(0xFFFF0000),
                                      jnp.float32)
        lo = lax.bitcast_convert_type(w << 16, jnp.float32)
        return hi, lo

    ru = rows_ref[0]
    ri = rows_ref[1]
    u, p0 = unpk(ru, 0)
    p1, p2 = unpk(ru, 1)
    i, s0 = unpk(ri, 0)
    s1, s2 = unpk(ri, 1)
    p = (p0, p1, p2)
    s = (s0, s1, s2)
    acc = LAMB * jnp.sum(u * i, axis=-1, keepdims=True)
    w = (1.0 - LAMB) / T
    for t in range(T):
        proj = lax.dot_general(
            p[t].astype(jnp.bfloat16),
            m_ref[t].astype(jnp.bfloat16),
            (((1,), (0,)), ((), ())),
            preferred_element_type=jnp.float32,
        )
        acc = acc + w * jnp.sum(proj * s[t], axis=-1, keepdims=True)
    out_ref[...] = acc


def kernel(user_idx, item_idx, user_latent, item_latent, s_item_list,
           user_mean_emb, M_t):
    ui = user_idx.astype(jnp.int32)
    ii = item_idx.astype(jnp.int32)
    ult = jnp.swapaxes(user_latent, 0, 1)
    ilt = jnp.swapaxes(item_latent, 0, 1)
    umt = jnp.transpose(user_mean_emb, (0, 2, 1))
    sst = jnp.transpose(s_item_list, (0, 2, 1))
    planes = _transpose_all(ult, ilt, umt, sst)
    planes_flat = planes.reshape(2 * NUM_USERS, PW)
    idx_all = jnp.concatenate(
        [ui[None], ii[None] + jnp.int32(NUM_USERS)], axis=0
    ).reshape(2, NW, NCHUNK, CHUNK)

    rows = _sc_gather(planes_flat, idx_all)

    score2 = pl.pallas_call(
        _tc_body,
        grid=(BATCH // BLK,),
        in_specs=[
            pl.BlockSpec((2, BLK, PW), lambda i: (0, i, 0)),
            pl.BlockSpec((T, EMB, EMB), lambda i: (0, 0, 0)),
        ],
        out_specs=pl.BlockSpec((BLK, 1), lambda i: (i, 0)),
        out_shape=jax.ShapeDtypeStruct((BATCH, 1), jnp.float32),
    )(rows, M_t)
    return score2[:, 0]

# --- scband reference (transcript-rebuilt; emitter-appended) ---
"""Pipeline reference for scband-mbgcn-59107339927714 (READ-ONLY COPY).

The authoritative reference and input builder live on the scoring server;
editing this copy changes nothing except your own understanding.
"""

import jax, jax.numpy as jnp
import numpy as np

NUM_USERS = 100000
NUM_ITEMS = 100000
EMB = 64
T = 3  # behaviors: view, cart, purchase
BATCH = 16384
LAMB = 0.5


def setup_inputs(seed: int = 0) -> dict:
    key = jax.random.key(seed)
    ks = jax.random.split(key, 8)
    user_idx = jax.random.randint(ks[0], (BATCH,), 0, NUM_USERS, dtype=jnp.int64 if jax.config.jax_enable_x64 else jnp.int32)
    item_idx = jax.random.randint(ks[1], (BATCH,), 0, NUM_ITEMS, dtype=jnp.int64 if jax.config.jax_enable_x64 else jnp.int32)
    # Cached propagated embeddings (as produced by model.encode()) and parameters
    user_latent = jax.random.normal(ks[2], (NUM_USERS, EMB), dtype=jnp.float32) * 0.1
    item_latent = jax.random.normal(ks[3], (NUM_ITEMS, EMB), dtype=jnp.float32) * 0.1
    s_item_list = jax.random.normal(ks[4], (T, NUM_ITEMS, EMB), dtype=jnp.float32) * 0.1
    user_mean_emb = jax.random.normal(ks[5], (T, NUM_USERS, EMB), dtype=jnp.float32) * 0.1
    M_t = jax.random.normal(ks[6], (T, EMB, EMB), dtype=jnp.float32) * (1.0 / np.sqrt(EMB))
    return {
        "user_idx": user_idx,
        "item_idx": item_idx,
        "user_latent": user_latent,
        "item_latent": item_latent,
        "s_item_list": s_item_list,
        "user_mean_emb": user_mean_emb,
        "M_t": M_t,
    }


def reference(user_idx, item_idx, user_latent, item_latent, s_item_list, user_mean_emb, M_t):
    # --- user-based CF score: dot(u_latent, i_latent) ---
    u_vec = jnp.take(user_latent, user_idx, axis=0)            # (B, d)
    i_vec = jnp.take(item_latent, item_idx, axis=0)            # (B, d)
    user_cf_score = jnp.sum(u_vec * i_vec, axis=1)             # (B,)

    # --- item-based CF score (item_cf_mode == 'original', item_alpha=False) ---
    # For each behavior t: score_t = (mean_{j in N_t(u)} s_j)^T  M_t  s_i
    p_u = jnp.take(user_mean_emb, user_idx, axis=1)            # (T, B, d) gather per behavior
    s_i = jnp.take(s_item_list, item_idx, axis=1)              # (T, B, d)
    proj = jnp.einsum('tbd,tde->tbe', p_u, M_t)                # (T, B, d)
    per_bhv = jnp.sum(proj * s_i, axis=-1)                     # (T, B)
    item_cf_score = jnp.mean(per_bhv, axis=0)                  # (B,)

    # --- combine ---
    score = LAMB * user_cf_score + (1.0 - LAMB) * item_cf_score
    return score

if __name__ == "__main__":
    import jax
    _d = setup_inputs()
    print(jax.jit(kernel)(*tuple(_d.values())))

</pallas_src>

<mosaic_0001>
#map = affine_map<(d0, d1) -> (0, 0)>
#map1 = affine_map<(d0, d1) -> (0, 0, 0, 0)>
#map2 = affine_map<(d0, d1) -> (0, 0, 0)>
module attributes {stable_mosaic.version = 14 : i64} {
  func.func @_sc_gather(%arg0: i32, %arg1: i32, %arg2: memref<200000x128xf32, #tpu.memory_space<hbm>>, %arg3: memref<2x32x4x128xi32, #tpu.memory_space<hbm>>, %arg4: memref<2x16384x128xf32, #tpu.memory_space<hbm>>, %arg5: memref<4x128xi32, #tpu.memory_space<vmem>>, %arg6: memref<512x128xf32, #tpu.memory_space<vmem>>, %arg7: memref<!tpu.dma_semaphore, #tpu.memory_space<semaphore_mem>>) attributes {dimension_semantics = [#tpu.dimension_semantics<core_parallel>, #tpu.dimension_semantics<subcore_parallel>], iteration_bounds = array<i64: 2, 16>, scalar_prefetch = 0 : i64, scratch_operands = 3 : i64, tpu.core_type = #tpu.core_type<sc_vector_subcore>, window_params = [{transform_indices = #map}, {transform_indices = #map1}, {transform_indices = #map2}]} {
    %mul3A = arith.constant 2 : i32
    %mul3A_0 = arith.muli %arg1, %mul3A : i32
    %add3A = arith.addi %mul3A_0, %arg0 : i32
    %run_scoped3A = arith.constant 0 : i32
    "tpu.region"() ({
      %run_scoped3A_166 = tpu.sem_alloc : memref<!tpu.dma_semaphore, #tpu.memory_space<semaphore_mem>>
      %dma_start3A_167 = arith.constant 0 : i32
      %dma_start3A_168 = arith.constant 0 : i32
      %dma_start3A_169 = tpu.memref_slice %arg3[%run_scoped3A, %add3A, %dma_start3A_167, %dma_start3A_168] : memref<2x32x4x128xi32, #tpu.memory_space<hbm>> -> memref<1x1x4x128xi32, #tpu.memory_space<hbm>>
      %dma_start3A_170 = tpu.memref_squeeze %dma_start3A_169 : memref<1x1x4x128xi32, #tpu.memory_space<hbm>> -> memref<4x128xi32, #tpu.memory_space<hbm>>
      %dma_start3A_171 = arith.constant 0 : i32
      %dma_start3A_172 = arith.constant 0 : i32
      %dma_start3A_173 = tpu.memref_slice %arg3[%run_scoped3A, %add3A, %dma_start3A_171, %dma_start3A_172] : memref<2x32x4x128xi32, #tpu.memory_space<hbm>> -> memref<1x1x4x128xi32, #tpu.memory_space<hbm>>
      %dma_start3A_174 = tpu.memref_squeeze %dma_start3A_173 : memref<1x1x4x128xi32, #tpu.memory_space<hbm>> -> memref<4x128xi32, #tpu.memory_space<hbm>>
      tpu.enqueue_dma source(%dma_start3A_174 : memref<4x128xi32, #tpu.memory_space<hbm>>) target(%arg5 : memref<4x128xi32, #tpu.memory_space<vmem>>) target_semaphore(%run_scoped3A_166 : memref<!tpu.dma_semaphore, #tpu.memory_space<semaphore_mem>>)
      %dma_wait3A_175 = arith.constant 0 : i32
      %dma_wait3A_176 = arith.constant 0 : i32
      %dma_wait3A_177 = tpu.memref_slice %arg3[%run_scoped3A, %add3A, %dma_wait3A_175, %dma_wait3A_176] : memref<2x32x4x128xi32, #tpu.memory_space<hbm>> -> memref<1x1x4x128xi32, #tpu.memory_space<hbm>>
      %dma_wait3A_178 = tpu.memref_squeeze %dma_wait3A_177 : memref<1x1x4x128xi32, #tpu.memory_space<hbm>> -> memref<4x128xi32, #tpu.memory_space<hbm>>
      %dma_wait3A_179 = arith.constant 0 : i32
      %dma_wait3A_180 = arith.constant 0 : i32
      %dma_wait3A_181 = tpu.memref_slice %arg3[%run_scoped3A, %add3A, %dma_wait3A_179, %dma_wait3A_180] : memref<2x32x4x128xi32, #tpu.memory_space<hbm>> -> memref<1x1x4x128xi32, #tpu.memory_space<hbm>>
      %dma_wait3A_182 = tpu.memref_squeeze %dma_wait3A_181 : memref<1x1x4x128xi32, #tpu.memory_space<hbm>> -> memref<4x128xi32, #tpu.memory_space<hbm>>
      tpu.wait_dma2 semaphore(%run_scoped3A_166 : memref<!tpu.dma_semaphore, #tpu.memory_space<semaphore_mem>>) src(%dma_wait3A_182 : memref<4x128xi32, #tpu.memory_space<hbm>>) dst(%arg5 : memref<4x128xi32, #tpu.memory_space<vmem>>)
      tpu.yield
    }) : () -> ()
    %dma_start3A = arith.constant 0 : i32
    %dma_start3A_1 = arith.constant 0 : i32
    %dma_start3A_2 = arith.constant 0 : i32
    %dma_start3A_3 = tpu.memref_slice %arg6[%dma_start3A_1, %dma_start3A_2] : memref<512x128xf32, #tpu.memory_space<vmem>> -> memref<128x128xf32, #tpu.memory_space<vmem>>
    %dma_start3A_4 = arith.constant 0 : i32
    %dma_start3A_5 = tpu.memref_slice %arg5[%dma_start3A, %dma_start3A_4] : memref<4x128xi32, #tpu.memory_space<vmem>> -> memref<1x128xi32, #tpu.memory_space<vmem>>
    %dma_start3A_6 = tpu.memref_squeeze %dma_start3A_5 : memref<1x128xi32, #tpu.memory_space<vmem>> -> memref<128xi32, #tpu.memory_space<vmem>>
    %dma_start3A_7 = arith.constant 0 : i32
    %dma_start3A_8 = arith.constant 0 : i32
    %dma_start3A_9 = tpu.memref_slice %arg2[%dma_start3A_7, %dma_start3A_8] : memref<200000x128xf32, #tpu.memory_space<hbm>> -> memref<200000x128xf32, #tpu.memory_space<hbm>>
    tpu.enqueue_indirect_dma source(%dma_start3A_9 : memref<200000x128xf32, #tpu.memory_space<hbm>>) target(%dma_start3A_3 : memref<128x128xf32, #tpu.memory_space<vmem>>) offsets(%dma_start3A_6 : memref<128xi32, #tpu.memory_space<vmem>>) semaphore(%arg7 : memref<!tpu.dma_semaphore, #tpu.memory_space<semaphore_mem>>)
    %dma_start3A_10 = arith.constant 1 : i32
    %dma_start3A_11 = arith.constant 128 : i32
    %dma_start3A_12 = arith.constant 0 : i32
    %dma_start3A_13 = tpu.memref_slice %arg6[%dma_start3A_11, %dma_start3A_12] : memref<512x128xf32, #tpu.memory_space<vmem>> -> memref<128x128xf32, #tpu.memory_space<vmem>>
    %dma_start3A_14 = arith.constant 0 : i32
    %dma_start3A_15 = tpu.memref_slice %arg5[%dma_start3A_10, %dma_start3A_14] : memref<4x128xi32, #tpu.memory_space<vmem>> -> memref<1x128xi32, #tpu.memory_space<vmem>>
    %dma_start3A_16 = tpu.memref_squeeze %dma_start3A_15 : memref<1x128xi32, #tpu.memory_space<vmem>> -> memref<128xi32, #tpu.memory_space<vmem>>
    %dma_start3A_17 = arith.constant 0 : i32
    %dma_start3A_18 = arith.constant 0 : i32
    %dma_start3A_19 = tpu.memref_slice %arg2[%dma_start3A_17, %dma_start3A_18] : memref<200000x128xf32, #tpu.memory_space<hbm>> -> memref<200000x128xf32, #tpu.memory_space<hbm>>
    tpu.enqueue_indirect_dma source(%dma_start3A_19 : memref<200000x128xf32, #tpu.memory_space<hbm>>) target(%dma_start3A_13 : memref<128x128xf32, #tpu.memory_space<vmem>>) offsets(%dma_start3A_16 : memref<128xi32, #tpu.memory_space<vmem>>) semaphore(%arg7 : memref<!tpu.dma_semaphore, #tpu.memory_space<semaphore_mem>>)
    %dma_start3A_20 = arith.constant 2 : i32
    %dma_start3A_21 = arith.constant 256 : i32
    %dma_start3A_22 = arith.constant 0 : i32
    %dma_start3A_23 = tpu.memref_slice %arg6[%dma_start3A_21, %dma_start3A_22] : memref<512x128xf32, #tpu.memory_space<vmem>> -> memref<128x128xf32, #tpu.memory_space<vmem>>
    %dma_start3A_24 = arith.constant 0 : i32
    %dma_start3A_25 = tpu.memref_slice %arg5[%dma_start3A_20, %dma_start3A_24] : memref<4x128xi32, #tpu.memory_space<vmem>> -> memref<1x128xi32, #tpu.memory_space<vmem>>
    %dma_start3A_26 = tpu.memref_squeeze %dma_start3A_25 : memref<1x128xi32, #tpu.memory_space<vmem>> -> memref<128xi32, #tpu.memory_space<vmem>>
    %dma_start3A_27 = arith.constant 0 : i32
    %dma_start3A_28 = arith.constant 0 : i32
    %dma_start3A_29 = tpu.memref_slice %arg2[%dma_start3A_27, %dma_start3A_28] : memref<200000x128xf32, #tpu.memory_space<hbm>> -> memref<200000x128xf32, #tpu.memory_space<hbm>>
    tpu.enqueue_indirect_dma source(%dma_start3A_29 : memref<200000x128xf32, #tpu.memory_space<hbm>>) target(%dma_start3A_23 : memref<128x128xf32, #tpu.memory_space<vmem>>) offsets(%dma_start3A_26 : memref<128xi32, #tpu.memory_space<vmem>>) semaphore(%arg7 : memref<!tpu.dma_semaphore, #tpu.memory_space<semaphore_mem>>)
    %dma_start3A_30 = arith.constant 3 : i32
    %dma_start3A_31 = arith.constant 384 : i32
    %dma_start3A_32 = arith.constant 0 : i32
    %dma_start3A_33 = tpu.memref_slice %arg6[%dma_start3A_31, %dma_start3A_32] : memref<512x128xf32, #tpu.memory_space<vmem>> -> memref<128x128xf32, #tpu.memory_space<vmem>>
    %dma_start3A_34 = arith.constant 0 : i32
    %dma_start3A_35 = tpu.memref_slice %arg5[%dma_start3A_30, %dma_start3A_34] : memref<4x128xi32, #tpu.memory_space<vmem>> -> memref<1x128xi32, #tpu.memory_space<vmem>>
    %dma_start3A_36 = tpu.memref_squeeze %dma_start3A_35 : memref<1x128xi32, #tpu.memory_space<vmem>> -> memref<128xi32, #tpu.memory_space<vmem>>
    %dma_start3A_37 = arith.constant 0 : i32
    %dma_start3A_38 = arith.constant 0 : i32
    %dma_start3A_39 = tpu.memref_slice %arg2[%dma_start3A_37, %dma_start3A_38] : memref<200000x128xf32, #tpu.memory_space<hbm>> -> memref<200000x128xf32, #tpu.memory_space<hbm>>
    tpu.enqueue_indirect_dma source(%dma_start3A_39 : memref<200000x128xf32, #tpu.memory_space<hbm>>) target(%dma_start3A_33 : memref<128x128xf32, #tpu.memory_space<vmem>>) offsets(%dma_start3A_36 : memref<128xi32, #tpu.memory_space<vmem>>) semaphore(%arg7 : memref<!tpu.dma_semaphore, #tpu.memory_space<semaphore_mem>>)
    %dma_wait3A = arith.constant 0 : i32
    %dma_wait3A_40 = arith.constant 0 : i32
    %dma_wait3A_41 = arith.constant 0 : i32
    %dma_wait3A_42 = tpu.memref_slice %arg6[%dma_wait3A_40, %dma_wait3A_41] : memref<512x128xf32, #tpu.memory_space<vmem>> -> memref<128x128xf32, #tpu.memory_space<vmem>>
    %dma_wait3A_43 = arith.constant 0 : i32
    %dma_wait3A_44 = tpu.memref_slice %arg5[%dma_wait3A, %dma_wait3A_43] : memref<4x128xi32, #tpu.memory_space<vmem>> -> memref<1x128xi32, #tpu.memory_space<vmem>>
    %dma_wait3A_45 = tpu.memref_squeeze %dma_wait3A_44 : memref<1x128xi32, #tpu.memory_space<vmem>> -> memref<128xi32, #tpu.memory_space<vmem>>
    %dma_wait3A_46 = arith.constant 0 : i32
    %dma_wait3A_47 = arith.constant 0 : i32
    %dma_wait3A_48 = tpu.memref_slice %arg2[%dma_wait3A_46, %dma_wait3A_47] : memref<200000x128xf32, #tpu.memory_space<hbm>> -> memref<200000x128xf32, #tpu.memory_space<hbm>>
    tpu.wait_indirect_dma semaphore(%arg7 : memref<!tpu.dma_semaphore, #tpu.memory_space<semaphore_mem>>) src(%dma_wait3A_48 : memref<200000x128xf32, #tpu.memory_space<hbm>>) dst(%dma_wait3A_42 : memref<128x128xf32, #tpu.memory_space<vmem>>)
    %dma_wait3A_49 = arith.constant 1 : i32
    %dma_wait3A_50 = arith.constant 128 : i32
    %dma_wait3A_51 = arith.constant 0 : i32
    %dma_wait3A_52 = tpu.memref_slice %arg6[%dma_wait3A_50, %dma_wait3A_51] : memref<512x128xf32, #tpu.memory_space<vmem>> -> memref<128x128xf32, #tpu.memory_space<vmem>>
    %dma_wait3A_53 = arith.constant 0 : i32
    %dma_wait3A_54 = tpu.memref_slice %arg5[%dma_wait3A_49, %dma_wait3A_53] : memref<4x128xi32, #tpu.memory_space<vmem>> -> memref<1x128xi32, #tpu.memory_space<vmem>>
    %dma_wait3A_55 = tpu.memref_squeeze %dma_wait3A_54 : memref<1x128xi32, #tpu.memory_space<vmem>> -> memref<128xi32, #tpu.memory_space<vmem>>
    %dma_wait3A_56 = arith.constant 0 : i32
    %dma_wait3A_57 = arith.constant 0 : i32
    %dma_wait3A_58 = tpu.memref_slice %arg2[%dma_wait3A_56, %dma_wait3A_57] : memref<200000x128xf32, #tpu.memory_space<hbm>> -> memref<200000x128xf32, #tpu.memory_space<hbm>>
    tpu.wait_indirect_dma semaphore(%arg7 : memref<!tpu.dma_semaphore, #tpu.memory_space<semaphore_mem>>) src(%dma_wait3A_58 : memref<200000x128xf32, #tpu.memory_space<hbm>>) dst(%dma_wait3A_52 : memref<128x128xf32, #tpu.memory_space<vmem>>)
    %dma_wait3A_59 = arith.constant 2 : i32
    %dma_wait3A_60 = arith.constant 256 : i32
    %dma_wait3A_61 = arith.constant 0 : i32
    %dma_wait3A_62 = tpu.memref_slice %arg6[%dma_wait3A_60, %dma_wait3A_61] : memref<512x128xf32, #tpu.memory_space<vmem>> -> memref<128x128xf32, #tpu.memory_space<vmem>>
    %dma_wait3A_63 = arith.constant 0 : i32
    %dma_wait3A_64 = tpu.memref_slice %arg5[%dma_wait3A_59, %dma_wait3A_63] : memref<4x128xi32, #tpu.memory_space<vmem>> -> memref<1x128xi32, #tpu.memory_space<vmem>>
    %dma_wait3A_65 = tpu.memref_squeeze %dma_wait3A_64 : memref<1x128xi32, #tpu.memory_space<vmem>> -> memref<128xi32, #tpu.memory_space<vmem>>
    %dma_wait3A_66 = arith.constant 0 : i32
    %dma_wait3A_67 = arith.constant 0 : i32
    %dma_wait3A_68 = tpu.memref_slice %arg2[%dma_wait3A_66, %dma_wait3A_67] : memref<200000x128xf32, #tpu.memory_space<hbm>> -> memref<200000x128xf32, #tpu.memory_space<hbm>>
    tpu.wait_indirect_dma semaphore(%arg7 : memref<!tpu.dma_semaphore, #tpu.memory_space<semaphore_mem>>) src(%dma_wait3A_68 : memref<200000x128xf32, #tpu.memory_space<hbm>>) dst(%dma_wait3A_62 : memref<128x128xf32, #tpu.memory_space<vmem>>)
    %dma_wait3A_69 = arith.constant 3 : i32
    %dma_wait3A_70 = arith.constant 384 : i32
    %dma_wait3A_71 = arith.constant 0 : i32
    %dma_wait3A_72 = tpu.memref_slice %arg6[%dma_wait3A_70, %dma_wait3A_71] : memref<512x128xf32, #tpu.memory_space<vmem>> -> memref<128x128xf32, #tpu.memory_space<vmem>>
    %dma_wait3A_73 = arith.constant 0 : i32
    %dma_wait3A_74 = tpu.memref_slice %arg5[%dma_wait3A_69, %dma_wait3A_73] : memref<4x128xi32, #tpu.memory_space<vmem>> -> memref<1x128xi32, #tpu.memory_space<vmem>>
    %dma_wait3A_75 = tpu.memref_squeeze %dma_wait3A_74 : memref<1x128xi32, #tpu.memory_space<vmem>> -> memref<128xi32, #tpu.memory_space<vmem>>
    %dma_wait3A_76 = arith.constant 0 : i32
    %dma_wait3A_77 = arith.constant 0 : i32
    %dma_wait3A_78 = tpu.memref_slice %arg2[%dma_wait3A_76, %dma_wait3A_77] : memref<200000x128xf32, #tpu.memory_space<hbm>> -> memref<200000x128xf32, #tpu.memory_space<hbm>>
    tpu.wait_indirect_dma semaphore(%arg7 : memref<!tpu.dma_semaphore, #tpu.memory_space<semaphore_mem>>) src(%dma_wait3A_78 : memref<200000x128xf32, #tpu.memory_space<hbm>>) dst(%dma_wait3A_72 : memref<128x128xf32, #tpu.memory_space<vmem>>)
    %mul3A_79 = arith.constant 512 : i32
    %mul3A_80 = arith.muli %add3A, %mul3A_79 : i32
    %run_scoped3A_81 = arith.constant 0 : i32
    "tpu.region"() ({
      %run_scoped3A_166 = tpu.sem_alloc : memref<!tpu.dma_semaphore, #tpu.memory_space<semaphore_mem>>
      %dma_start3A_167 = arith.constant 0 : i32
      %dma_start3A_168 = tpu.memref_slice %arg4[%run_scoped3A_81, %mul3A_80, %dma_start3A_167] : memref<2x16384x128xf32, #tpu.memory_space<hbm>> -> memref<1x512x128xf32, #tpu.memory_space<hbm>>
      %dma_start3A_169 = tpu.memref_squeeze %dma_start3A_168 : memref<1x512x128xf32, #tpu.memory_space<hbm>> -> memref<512x128xf32, #tpu.memory_space<hbm>>
      %dma_start3A_170 = arith.constant 0 : i32
      %dma_start3A_171 = tpu.memref_slice %arg4[%run_scoped3A_81, %mul3A_80, %dma_start3A_170] : memref<2x16384x128xf32, #tpu.memory_space<hbm>> -> memref<1x512x128xf32, #tpu.memory_space<hbm>>
      %dma_start3A_172 = tpu.memref_squeeze %dma_start3A_171 : memref<1x512x128xf32, #tpu.memory_space<hbm>> -> memref<512x128xf32, #tpu.memory_space<hbm>>
      tpu.enqueue_dma source(%arg6 : memref<512x128xf32, #tpu.memory_space<vmem>>) target(%dma_start3A_172 : memref<512x128xf32, #tpu.memory_space<hbm>>) target_semaphore(%run_scoped3A_166 : memref<!tpu.dma_semaphore, #tpu.memory_space<semaphore_mem>>)
      %dma_wait3A_173 = arith.constant 0 : i32
      %dma_wait3A_174 = tpu.memref_slice %arg4[%run_scoped3A_81, %mul3A_80, %dma_wait3A_173] : memref<2x16384x128xf32, #tpu.memory_space<hbm>> -> memref<1x512x128xf32, #tpu.memory_space<hbm>>
      %dma_wait3A_175 = tpu.memref_squeeze %dma_wait3A_174 : memref<1x512x128xf32, #tpu.memory_space<hbm>> -> memref<512x128xf32, #tpu.memory_space<hbm>>
      %dma_wait3A_176 = arith.constant 0 : i32
      %dma_wait3A_177 = tpu.memref_slice %arg4[%run_scoped3A_81, %mul3A_80, %dma_wait3A_176] : memref<2x16384x128xf32, #tpu.memory_space<hbm>> -> memref<1x512x128xf32, #tpu.memory_space<hbm>>
      %dma_wait3A_178 = tpu.memref_squeeze %dma_wait3A_177 : memref<1x512x128xf32, #tpu.memory_space<hbm>> -> memref<512x128xf32, #tpu.memory_space<hbm>>
      tpu.wait_dma2 semaphore(%run_scoped3A_166 : memref<!tpu.dma_semaphore, #tpu.memory_space<semaphore_mem>>) src(%arg6 : memref<512x128xf32, #tpu.memory_space<vmem>>) dst(%dma_wait3A_178 : memref<512x128xf32, #tpu.memory_space<hbm>>)
      tpu.yield
    }) : () -> ()
    %run_scoped3A_82 = arith.constant 1 : i32
    "tpu.region"() ({
      %run_scoped3A_166 = tpu.sem_alloc : memref<!tpu.dma_semaphore, #tpu.memory_space<semaphore_mem>>
      %dma_start3A_167 = arith.constant 0 : i32
      %dma_start3A_168 = arith.constant 0 : i32
      %dma_start3A_169 = tpu.memref_slice %arg3[%run_scoped3A_82, %add3A, %dma_start3A_167, %dma_start3A_168] : memref<2x32x4x128xi32, #tpu.memory_space<hbm>> -> memref<1x1x4x128xi32, #tpu.memory_space<hbm>>
      %dma_start3A_170 = tpu.memref_squeeze %dma_start3A_169 : memref<1x1x4x128xi32, #tpu.memory_space<hbm>> -> memref<4x128xi32, #tpu.memory_space<hbm>>
      %dma_start3A_171 = arith.constant 0 : i32
      %dma_start3A_172 = arith.constant 0 : i32
      %dma_start3A_173 = tpu.memref_slice %arg3[%run_scoped3A_82, %add3A, %dma_start3A_171, %dma_start3A_172] : memref<2x32x4x128xi32, #tpu.memory_space<hbm>> -> memref<1x1x4x128xi32, #tpu.memory_space<hbm>>
      %dma_start3A_174 = tpu.memref_squeeze %dma_start3A_173 : memref<1x1x4x128xi32, #tpu.memory_space<hbm>> -> memref<4x128xi32, #tpu.memory_space<hbm>>
      tpu.enqueue_dma source(%dma_start3A_174 : memref<4x128xi32, #tpu.memory_space<hbm>>) target(%arg5 : memref<4x128xi32, #tpu.memory_space<vmem>>) target_semaphore(%run_scoped3A_166 : memref<!tpu.dma_semaphore, #tpu.memory_space<semaphore_mem>>)
      %dma_wait3A_175 = arith.constant 0 : i32
      %dma_wait3A_176 = arith.constant 0 : i32
      %dma_wait3A_177 = tpu.memref_slice %arg3[%run_scoped3A_82, %add3A, %dma_wait3A_175, %dma_wait3A_176] : memref<2x32x4x128xi32, #tpu.memory_space<hbm>> -> memref<1x1x4x128xi32, #tpu.memory_space<hbm>>
      %dma_wait3A_178 = tpu.memref_squeeze %dma_wait3A_177 : memref<1x1x4x128xi32, #tpu.memory_space<hbm>> -> memref<4x128xi32, #tpu.memory_space<hbm>>
      %dma_wait3A_179 = arith.constant 0 : i32
      %dma_wait3A_180 = arith.constant 0 : i32
      %dma_wait3A_181 = tpu.memref_slice %arg3[%run_scoped3A_82, %add3A, %dma_wait3A_179, %dma_wait3A_180] : memref<2x32x4x128xi32, #tpu.memory_space<hbm>> -> memref<1x1x4x128xi32, #tpu.memory_space<hbm>>
      %dma_wait3A_182 = tpu.memref_squeeze %dma_wait3A_181 : memref<1x1x4x128xi32, #tpu.memory_space<hbm>> -> memref<4x128xi32, #tpu.memory_space<hbm>>
      tpu.wait_dma2 semaphore(%run_scoped3A_166 : memref<!tpu.dma_semaphore, #tpu.memory_space<semaphore_mem>>) src(%dma_wait3A_182 : memref<4x128xi32, #tpu.memory_space<hbm>>) dst(%arg5 : memref<4x128xi32, #tpu.memory_space<vmem>>)
      tpu.yield
    }) : () -> ()
    %dma_start3A_83 = arith.constant 0 : i32
    %dma_start3A_84 = arith.constant 0 : i32
    %dma_start3A_85 = arith.constant 0 : i32
    %dma_start3A_86 = tpu.memref_slice %arg6[%dma_start3A_84, %dma_start3A_85] : memref<512x128xf32, #tpu.memory_space<vmem>> -> memref<128x128xf32, #tpu.memory_space<vmem>>
    %dma_start3A_87 = arith.constant 0 : i32
    %dma_start3A_88 = tpu.memref_slice %arg5[%dma_start3A_83, %dma_start3A_87] : memref<4x128xi32, #tpu.memory_space<vmem>> -> memref<1x128xi32, #tpu.memory_space<vmem>>
    %dma_start3A_89 = tpu.memref_squeeze %dma_start3A_88 : memref<1x128xi32, #tpu.memory_space<vmem>> -> memref<128xi32, #tpu.memory_space<vmem>>
    %dma_start3A_90 = arith.constant 0 : i32
    %dma_start3A_91 = arith.constant 0 : i32
    %dma_start3A_92 = tpu.memref_slice %arg2[%dma_start3A_90, %dma_start3A_91] : memref<200000x128xf32, #tpu.memory_space<hbm>> -> memref<200000x128xf32, #tpu.memory_space<hbm>>
    tpu.enqueue_indirect_dma source(%dma_start3A_92 : memref<200000x128xf32, #tpu.memory_space<hbm>>) target(%dma_start3A_86 : memref<128x128xf32, #tpu.memory_space<vmem>>) offsets(%dma_start3A_89 : memref<128xi32, #tpu.memory_space<vmem>>) semaphore(%arg7 : memref<!tpu.dma_semaphore, #tpu.memory_space<semaphore_mem>>)
    %dma_start3A_93 = arith.constant 1 : i32
    %dma_start3A_94 = arith.constant 128 : i32
    %dma_start3A_95 = arith.constant 0 : i32
    %dma_start3A_96 = tpu.memref_slice %arg6[%dma_start3A_94, %dma_start3A_95] : memref<512x128xf32, #tpu.memory_space<vmem>> -> memref<128x128xf32, #tpu.memory_space<vmem>>
    %dma_start3A_97 = arith.constant 0 : i32
    %dma_start3A_98 = tpu.memref_slice %arg5[%dma_start3A_93, %dma_start3A_97] : memref<4x128xi32, #tpu.memory_space<vmem>> -> memref<1x128xi32, #tpu.memory_space<vmem>>
    %dma_start3A_99 = tpu.memref_squeeze %dma_start3A_98 : memref<1x128xi32, #tpu.memory_space<vmem>> -> memref<128xi32, #tpu.memory_space<vmem>>
    %dma_start3A_100 = arith.constant 0 : i32
    %dma_start3A_101 = arith.constant 0 : i32
    %dma_start3A_102 = tpu.memref_slice %arg2[%dma_start3A_100, %dma_start3A_101] : memref<200000x128xf32, #tpu.memory_space<hbm>> -> memref<200000x128xf32, #tpu.memory_space<hbm>>
    tpu.enqueue_indirect_dma source(%dma_start3A_102 : memref<200000x128xf32, #tpu.memory_space<hbm>>) target(%dma_start3A_96 : memref<128x128xf32, #tpu.memory_space<vmem>>) offsets(%dma_start3A_99 : memref<128xi32, #tpu.memory_space<vmem>>) semaphore(%arg7 : memref<!tpu.dma_semaphore, #tpu.memory_space<semaphore_mem>>)
    %dma_start3A_103 = arith.constant 2 : i32
    %dma_start3A_104 = arith.constant 256 : i32
    %dma_start3A_105 = arith.constant 0 : i32
    %dma_start3A_106 = tpu.memref_slice %arg6[%dma_start3A_104, %dma_start3A_105] : memref<512x128xf32, #tpu.memory_space<vmem>> -> memref<128x128xf32, #tpu.memory_space<vmem>>
    %dma_start3A_107 = arith.constant 0 : i32
    %dma_start3A_108 = tpu.memref_slice %arg5[%dma_start3A_103, %dma_start3A_107] : memref<4x128xi32, #tpu.memory_space<vmem>> -> memref<1x128xi32, #tpu.memory_space<vmem>>
    %dma_start3A_109 = tpu.memref_squeeze %dma_start3A_108 : memref<1x128xi32, #tpu.memory_space<vmem>> -> memref<128xi32, #tpu.memory_space<vmem>>
    %dma_start3A_110 = arith.constant 0 : i32
    %dma_start3A_111 = arith.constant 0 : i32
    %dma_start3A_112 = tpu.memref_slice %arg2[%dma_start3A_110, %dma_start3A_111] : memref<200000x128xf32, #tpu.memory_space<hbm>> -> memref<200000x128xf32, #tpu.memory_space<hbm>>
    tpu.enqueue_indirect_dma source(%dma_start3A_112 : memref<200000x128xf32, #tpu.memory_space<hbm>>) target(%dma_start3A_106 : memref<128x128xf32, #tpu.memory_space<vmem>>) offsets(%dma_start3A_109 : memref<128xi32, #tpu.memory_space<vmem>>) semaphore(%arg7 : memref<!tpu.dma_semaphore, #tpu.memory_space<semaphore_mem>>)
    %dma_start3A_113 = arith.constant 3 : i32
    %dma_start3A_114 = arith.constant 384 : i32
    %dma_start3A_115 = arith.constant 0 : i32
    %dma_start3A_116 = tpu.memref_slice %arg6[%dma_start3A_114, %dma_start3A_115] : memref<512x128xf32, #tpu.memory_space<vmem>> -> memref<128x128xf32, #tpu.memory_space<vmem>>
    %dma_start3A_117 = arith.constant 0 : i32
    %dma_start3A_118 = tpu.memref_slice %arg5[%dma_start3A_113, %dma_start3A_117] : memref<4x128xi32, #tpu.memory_space<vmem>> -> memref<1x128xi32, #tpu.memory_space<vmem>>
    %dma_start3A_119 = tpu.memref_squeeze %dma_start3A_118 : memref<1x128xi32, #tpu.memory_space<vmem>> -> memref<128xi32, #tpu.memory_space<vmem>>
    %dma_start3A_120 = arith.constant 0 : i32
    %dma_start3A_121 = arith.constant 0 : i32
    %dma_start3A_122 = tpu.memref_slice %arg2[%dma_start3A_120, %dma_start3A_121] : memref<200000x128xf32, #tpu.memory_space<hbm>> -> memref<200000x128xf32, #tpu.memory_space<hbm>>
    tpu.enqueue_indirect_dma source(%dma_start3A_122 : memref<200000x128xf32, #tpu.memory_space<hbm>>) target(%dma_start3A_116 : memref<128x128xf32, #tpu.memory_space<vmem>>) offsets(%dma_start3A_119 : memref<128xi32, #tpu.memory_space<vmem>>) semaphore(%arg7 : memref<!tpu.dma_semaphore, #tpu.memory_space<semaphore_mem>>)
    %dma_wait3A_123 = arith.constant 0 : i32
    %dma_wait3A_124 = arith.constant 0 : i32
    %dma_wait3A_125 = arith.constant 0 : i32
    %dma_wait3A_126 = tpu.memref_slice %arg6[%dma_wait3A_124, %dma_wait3A_125] : memref<512x128xf32, #tpu.memory_space<vmem>> -> memref<128x128xf32, #tpu.memory_space<vmem>>
    %dma_wait3A_127 = arith.constant 0 : i32
    %dma_wait3A_128 = tpu.memref_slice %arg5[%dma_wait3A_123, %dma_wait3A_127] : memref<4x128xi32, #tpu.memory_space<vmem>> -> memref<1x128xi32, #tpu.memory_space<vmem>>
    %dma_wait3A_129 = tpu.memref_squeeze %dma_wait3A_128 : memref<1x128xi32, #tpu.memory_space<vmem>> -> memref<128xi32, #tpu.memory_space<vmem>>
    %dma_wait3A_130 = arith.constant 0 : i32
    %dma_wait3A_131 = arith.constant 0 : i32
    %dma_wait3A_132 = tpu.memref_slice %arg2[%dma_wait3A_130, %dma_wait3A_131] : memref<200000x128xf32, #tpu.memory_space<hbm>> -> memref<200000x128xf32, #tpu.memory_space<hbm>>
    tpu.wait_indirect_dma semaphore(%arg7 : memref<!tpu.dma_semaphore, #tpu.memory_space<semaphore_mem>>) src(%dma_wait3A_132 : memref<200000x128xf32, #tpu.memory_space<hbm>>) dst(%dma_wait3A_126 : memref<128x128xf32, #tpu.memory_space<vmem>>)
    %dma_wait3A_133 = arith.constant 1 : i32
    %dma_wait3A_134 = arith.constant 128 : i32
    %dma_wait3A_135 = arith.constant 0 : i32
    %dma_wait3A_136 = tpu.memref_slice %arg6[%dma_wait3A_134, %dma_wait3A_135] : memref<512x128xf32, #tpu.memory_space<vmem>> -> memref<128x128xf32, #tpu.memory_space<vmem>>
    %dma_wait3A_137 = arith.constant 0 : i32
    %dma_wait3A_138 = tpu.memref_slice %arg5[%dma_wait3A_133, %dma_wait3A_137] : memref<4x128xi32, #tpu.memory_space<vmem>> -> memref<1x128xi32, #tpu.memory_space<vmem>>
    %dma_wait3A_139 = tpu.memref_squeeze %dma_wait3A_138 : memref<1x128xi32, #tpu.memory_space<vmem>> -> memref<128xi32, #tpu.memory_space<vmem>>
    %dma_wait3A_140 = arith.constant 0 : i32
    %dma_wait3A_141 = arith.constant 0 : i32
    %dma_wait3A_142 = tpu.memref_slice %arg2[%dma_wait3A_140, %dma_wait3A_141] : memref<200000x128xf32, #tpu.memory_space<hbm>> -> memref<200000x128xf32, #tpu.memory_space<hbm>>
    tpu.wait_indirect_dma semaphore(%arg7 : memref<!tpu.dma_semaphore, #tpu.memory_space<semaphore_mem>>) src(%dma_wait3A_142 : memref<200000x128xf32, #tpu.memory_space<hbm>>) dst(%dma_wait3A_136 : memref<128x128xf32, #tpu.memory_space<vmem>>)
    %dma_wait3A_143 = arith.constant 2 : i32
    %dma_wait3A_144 = arith.constant 256 : i32
    %dma_wait3A_145 = arith.constant 0 : i32
    %dma_wait3A_146 = tpu.memref_slice %arg6[%dma_wait3A_144, %dma_wait3A_145] : memref<512x128xf32, #tpu.memory_space<vmem>> -> memref<128x128xf32, #tpu.memory_space<vmem>>
    %dma_wait3A_147 = arith.constant 0 : i32
    %dma_wait3A_148 = tpu.memref_slice %arg5[%dma_wait3A_143, %dma_wait3A_147] : memref<4x128xi32, #tpu.memory_space<vmem>> -> memref<1x128xi32, #tpu.memory_space<vmem>>
    %dma_wait3A_149 = tpu.memref_squeeze %dma_wait3A_148 : memref<1x128xi32, #tpu.memory_space<vmem>> -> memref<128xi32, #tpu.memory_space<vmem>>
    %dma_wait3A_150 = arith.constant 0 : i32
    %dma_wait3A_151 = arith.constant 0 : i32
    %dma_wait3A_152 = tpu.memref_slice %arg2[%dma_wait3A_150, %dma_wait3A_151] : memref<200000x128xf32, #tpu.memory_space<hbm>> -> memref<200000x128xf32, #tpu.memory_space<hbm>>
    tpu.wait_indirect_dma semaphore(%arg7 : memref<!tpu.dma_semaphore, #tpu.memory_space<semaphore_mem>>) src(%dma_wait3A_152 : memref<200000x128xf32, #tpu.memory_space<hbm>>) dst(%dma_wait3A_146 : memref<128x128xf32, #tpu.memory_space<vmem>>)
    %dma_wait3A_153 = arith.constant 3 : i32
    %dma_wait3A_154 = arith.constant 384 : i32
    %dma_wait3A_155 = arith.constant 0 : i32
    %dma_wait3A_156 = tpu.memref_slice %arg6[%dma_wait3A_154, %dma_wait3A_155] : memref<512x128xf32, #tpu.memory_space<vmem>> -> memref<128x128xf32, #tpu.memory_space<vmem>>
    %dma_wait3A_157 = arith.constant 0 : i32
    %dma_wait3A_158 = tpu.memref_slice %arg5[%dma_wait3A_153, %dma_wait3A_157] : memref<4x128xi32, #tpu.memory_space<vmem>> -> memref<1x128xi32, #tpu.memory_space<vmem>>
    %dma_wait3A_159 = tpu.memref_squeeze %dma_wait3A_158 : memref<1x128xi32, #tpu.memory_space<vmem>> -> memref<128xi32, #tpu.memory_space<vmem>>
    %dma_wait3A_160 = arith.constant 0 : i32
    %dma_wait3A_161 = arith.constant 0 : i32
    %dma_wait3A_162 = tpu.memref_slice %arg2[%dma_wait3A_160, %dma_wait3A_161] : memref<200000x128xf32, #tpu.memory_space<hbm>> -> memref<200000x128xf32, #tpu.memory_space<hbm>>
    tpu.wait_indirect_dma semaphore(%arg7 : memref<!tpu.dma_semaphore, #tpu.memory_space<semaphore_mem>>) src(%dma_wait3A_162 : memref<200000x128xf32, #tpu.memory_space<hbm>>) dst(%dma_wait3A_156 : memref<128x128xf32, #tpu.memory_space<vmem>>)
    %mul3A_163 = arith.constant 512 : i32
    %mul3A_164 = arith.muli %add3A, %mul3A_163 : i32
    %run_scoped3A_165 = arith.constant 1 : i32
    "tpu.region"() ({
      %run_scoped3A_166 = tpu.sem_alloc : memref<!tpu.dma_semaphore, #tpu.memory_space<semaphore_mem>>
      %dma_start3A_167 = arith.constant 0 : i32
      %dma_start3A_168 = tpu.memref_slice %arg4[%run_scoped3A_165, %mul3A_164, %dma_start3A_167] : memref<2x16384x128xf32, #tpu.memory_space<hbm>> -> memref<1x512x128xf32, #tpu.memory_space<hbm>>
      %dma_start3A_169 = tpu.memref_squeeze %dma_start3A_168 : memref<1x512x128xf32, #tpu.memory_space<hbm>> -> memref<512x128xf32, #tpu.memory_space<hbm>>
      %dma_start3A_170 = arith.constant 0 : i32
      %dma_start3A_171 = tpu.memref_slice %arg4[%run_scoped3A_165, %mul3A_164, %dma_start3A_170] : memref<2x16384x128xf32, #tpu.memory_space<hbm>> -> memref<1x512x128xf32, #tpu.memory_space<hbm>>
      %dma_start3A_172 = tpu.memref_squeeze %dma_start3A_171 : memref<1x512x128xf32, #tpu.memory_space<hbm>> -> memref<512x128xf32, #tpu.memory_space<hbm>>
      tpu.enqueue_dma source(%arg6 : memref<512x128xf32, #tpu.memory_space<vmem>>) target(%dma_start3A_172 : memref<512x128xf32, #tpu.memory_space<hbm>>) target_semaphore(%run_scoped3A_166 : memref<!tpu.dma_semaphore, #tpu.memory_space<semaphore_mem>>)
      %dma_wait3A_173 = arith.constant 0 : i32
      %dma_wait3A_174 = tpu.memref_slice %arg4[%run_scoped3A_165, %mul3A_164, %dma_wait3A_173] : memref<2x16384x128xf32, #tpu.memory_space<hbm>> -> memref<1x512x128xf32, #tpu.memory_space<hbm>>
      %dma_wait3A_175 = tpu.memref_squeeze %dma_wait3A_174 : memref<1x512x128xf32, #tpu.memory_space<hbm>> -> memref<512x128xf32, #tpu.memory_space<hbm>>
      %dma_wait3A_176 = arith.constant 0 : i32
      %dma_wait3A_177 = tpu.memref_slice %arg4[%run_scoped3A_165, %mul3A_164, %dma_wait3A_176] : memref<2x16384x128xf32, #tpu.memory_space<hbm>> -> memref<1x512x128xf32, #tpu.memory_space<hbm>>
      %dma_wait3A_178 = tpu.memref_squeeze %dma_wait3A_177 : memref<1x512x128xf32, #tpu.memory_space<hbm>> -> memref<512x128xf32, #tpu.memory_space<hbm>>
      tpu.wait_dma2 semaphore(%run_scoped3A_166 : memref<!tpu.dma_semaphore, #tpu.memory_space<semaphore_mem>>) src(%arg6 : memref<512x128xf32, #tpu.memory_space<vmem>>) dst(%dma_wait3A_178 : memref<512x128xf32, #tpu.memory_space<hbm>>)
      tpu.yield
    }) : () -> ()
    return
  }
}

module attributes {stable_mosaic.version = 14 : i64} {
  func.func @_tc_body(%arg0: i32, %arg1: memref<2x4096x128xf32, #tpu.memory_space<vmem>>, %arg2: memref<3x64x64xf32, #tpu.memory_space<vmem>>, %arg3: memref<4096x1xf32, #tpu.memory_space<vmem>>) attributes {dimension_semantics = [#tpu.dimension_semantics<arbitrary>], iteration_bounds = array<i64: 4>, scalar_prefetch = 0 : i64, scratch_operands = 0 : i64, tpu.core_type = #tpu.core_type<tc>, window_params = [{transform_indices = @transform_0, window_bounds = array<i64: 2, 4096, 128>}, {pipeline_mode = #tpu.pipeline_mode<synchronous>, transform_indices = @transform_1, window_bounds = array<i64: 3, 64, 64>}, {transform_indices = @transform_2, window_bounds = array<i64: 4096, 1>}]} {
    %get3A = arith.constant 0 : index
    %get3A_0 = arith.constant 0 : index
    %get3A_1 = arith.constant 0 : index
    %get3A_2 = vector.load %arg1[%get3A, %get3A_0, %get3A_1] : memref<2x4096x128xf32, #tpu.memory_space<vmem>>, vector<1x4096x128xf32>
    %get3A_3 = vector.shape_cast %get3A_2 : vector<1x4096x128xf32> to vector<4096x128xf32>
    %get3A_4 = arith.constant 1 : index
    %get3A_5 = arith.constant 0 : index
    %get3A_6 = arith.constant 0 : index
    %get3A_7 = vector.load %arg1[%get3A_4, %get3A_5, %get3A_6] : memref<2x4096x128xf32, #tpu.memory_space<vmem>>, vector<1x4096x128xf32>
    %get3A_8 = vector.shape_cast %get3A_7 : vector<1x4096x128xf32> to vector<4096x128xf32>
    %slice3A = vector.extract_strided_slice %get3A_3 {offsets = [0, 0], sizes = [4096, 64], strides = [1, 1]} : vector<4096x128xf32> to vector<4096x64xf32>
    %bitcast_convert_type3A = tpu.bitcast %slice3A : vector<4096x64xf32> -> vector<4096x64xi32>
    %and3A = arith.constant -65536 : i32
    %and3A_9 = vector.broadcast %and3A : i32 to vector<4096x64xi32>
    %and3A_10 = arith.andi %bitcast_convert_type3A, %and3A_9 : vector<4096x64xi32>
    %bitcast_convert_type3A_11 = tpu.bitcast %and3A_10 : vector<4096x64xi32> -> vector<4096x64xf32>
    %shift_left3A = arith.constant 16 : i32
    %shift_left3A_12 = vector.broadcast %shift_left3A : i32 to vector<4096x64xi32>
    %shift_left3A_13 = arith.shli %bitcast_convert_type3A, %shift_left3A_12 : vector<4096x64xi32>
    %bitcast_convert_type3A_14 = tpu.bitcast %shift_left3A_13 : vector<4096x64xi32> -> vector<4096x64xf32>
    %slice3A_15 = vector.extract_strided_slice %get3A_3 {offsets = [0, 64], sizes = [4096, 64], strides = [1, 1]} : vector<4096x128xf32> to vector<4096x64xf32>
    %bitcast_convert_type3A_16 = tpu.bitcast %slice3A_15 : vector<4096x64xf32> -> vector<4096x64xi32>
    %and3A_17 = arith.constant -65536 : i32
    %and3A_18 = vector.broadcast %and3A_17 : i32 to vector<4096x64xi32>
    %and3A_19 = arith.andi %bitcast_convert_type3A_16, %and3A_18 : vector<4096x64xi32>
    %bitcast_convert_type3A_20 = tpu.bitcast %and3A_19 : vector<4096x64xi32> -> vector<4096x64xf32>
    %shift_left3A_21 = arith.constant 16 : i32
    %shift_left3A_22 = vector.broadcast %shift_left3A_21 : i32 to vector<4096x64xi32>
    %shift_left3A_23 = arith.shli %bitcast_convert_type3A_16, %shift_left3A_22 : vector<4096x64xi32>
    %bitcast_convert_type3A_24 = tpu.bitcast %shift_left3A_23 : vector<4096x64xi32> -> vector<4096x64xf32>
    %slice3A_25 = vector.extract_strided_slice %get3A_8 {offsets = [0, 0], sizes = [4096, 64], strides = [1, 1]} : vector<4096x128xf32> to vector<4096x64xf32>
    %bitcast_convert_type3A_26 = tpu.bitcast %slice3A_25 : vector<4096x64xf32> -> vector<4096x64xi32>
    %and3A_27 = arith.constant -65536 : i32
    %and3A_28 = vector.broadcast %and3A_27 : i32 to vector<4096x64xi32>
    %and3A_29 = arith.andi %bitcast_convert_type3A_26, %and3A_28 : vector<4096x64xi32>
    %bitcast_convert_type3A_30 = tpu.bitcast %and3A_29 : vector<4096x64xi32> -> vector<4096x64xf32>
    %shift_left3A_31 = arith.constant 16 : i32
    %shift_left3A_32 = vector.broadcast %shift_left3A_31 : i32 to vector<4096x64xi32>
    %shift_left3A_33 = arith.shli %bitcast_convert_type3A_26, %shift_left3A_32 : vector<4096x64xi32>
    %bitcast_convert_type3A_34 = tpu.bitcast %shift_left3A_33 : vector<4096x64xi32> -> vector<4096x64xf32>
    %slice3A_35 = vector.extract_strided_slice %get3A_8 {offsets = [0, 64], sizes = [4096, 64], strides = [1, 1]} : vector<4096x128xf32> to vector<4096x64xf32>
    %bitcast_convert_type3A_36 = tpu.bitcast %slice3A_35 : vector<4096x64xf32> -> vector<4096x64xi32>
    %and3A_37 = arith.constant -65536 : i32
    %and3A_38 = vector.broadcast %and3A_37 : i32 to vector<4096x64xi32>
    %and3A_39 = arith.andi %bitcast_convert_type3A_36, %and3A_38 : vector<4096x64xi32>
    %bitcast_convert_type3A_40 = tpu.bitcast %and3A_39 : vector<4096x64xi32> -> vector<4096x64xf32>
    %shift_left3A_41 = arith.constant 16 : i32
    %shift_left3A_42 = vector.broadcast %shift_left3A_41 : i32 to vector<4096x64xi32>
    %shift_left3A_43 = arith.shli %bitcast_convert_type3A_36, %shift_left3A_42 : vector<4096x64xi32>
    %bitcast_convert_type3A_44 = tpu.bitcast %shift_left3A_43 : vector<4096x64xi32> -> vector<4096x64xf32>
    %mul3A = arith.mulf %bitcast_convert_type3A_11, %bitcast_convert_type3A_30 : vector<4096x64xf32>
    %reduce_sum3A = arith.constant dense<0.000000e+00> : vector<4096xf32>
    %reduce_sum3A_45 = vector.multi_reduction <add>, %mul3A, %reduce_sum3A [1] : vector<4096x64xf32> to vector<4096xf32>
    %broadcast_in_dim3A = vector.shape_cast %reduce_sum3A_45 : vector<4096xf32> to vector<4096x1xf32>
    %mul3A_46 = arith.constant 5.000000e-01 : f32
    %mul3A_47 = vector.broadcast %mul3A_46 : f32 to vector<4096x1xf32>
    %mul3A_48 = arith.mulf %mul3A_47, %broadcast_in_dim3A : vector<4096x1xf32>
    %convert_element_type3A = arith.truncf %bitcast_convert_type3A_14 : vector<4096x64xf32> to vector<4096x64xbf16>
    %get3A_49 = arith.constant 0 : index
    %get3A_50 = arith.constant 0 : index
    %get3A_51 = arith.constant 0 : index
    %get3A_52 = vector.load %arg2[%get3A_49, %get3A_50, %get3A_51] : memref<3x64x64xf32, #tpu.memory_space<vmem>>, vector<1x64x64xf32>
    %get3A_53 = vector.shape_cast %get3A_52 : vector<1x64x64xf32> to vector<64x64xf32>
    %convert_element_type3A_54 = arith.truncf %get3A_53 : vector<64x64xf32> to vector<64x64xbf16>
    %dot_general3A = arith.constant dense<0.000000e+00> : vector<4096x64xf32>
    %dot_general3A_55 = tpu.matmul %convert_element_type3A, %convert_element_type3A_54, %dot_general3A {dimension_numbers = #tpu.dot_dimension_numbers<[1], [0], [0], [1], [0, 0, 1, 1], [], []>, transpose_lhs_hint = false} : vector<4096x64xbf16>, vector<64x64xbf16>, vector<4096x64xf32> -> vector<4096x64xf32>
    %mul3A_56 = arith.mulf %dot_general3A_55, %bitcast_convert_type3A_34 : vector<4096x64xf32>
    %reduce_sum3A_57 = arith.constant dense<0.000000e+00> : vector<4096xf32>
    %reduce_sum3A_58 = vector.multi_reduction <add>, %mul3A_56, %reduce_sum3A_57 [1] : vector<4096x64xf32> to vector<4096xf32>
    %broadcast_in_dim3A_59 = vector.shape_cast %reduce_sum3A_58 : vector<4096xf32> to vector<4096x1xf32>
    %mul3A_60 = arith.constant 0.166666672 : f32
    %mul3A_61 = vector.broadcast %mul3A_60 : f32 to vector<4096x1xf32>
    %mul3A_62 = arith.mulf %mul3A_61, %broadcast_in_dim3A_59 : vector<4096x1xf32>
    %add3A = arith.addf %mul3A_48, %mul3A_62 : vector<4096x1xf32>
    %convert_element_type3A_63 = arith.truncf %bitcast_convert_type3A_20 : vector<4096x64xf32> to vector<4096x64xbf16>
    %get3A_64 = arith.constant 1 : index
    %get3A_65 = arith.constant 0 : index
    %get3A_66 = arith.constant 0 : index
    %get3A_67 = vector.load %arg2[%get3A_64, %get3A_65, %get3A_66] : memref<3x64x64xf32, #tpu.memory_space<vmem>>, vector<1x64x64xf32>
    %get3A_68 = vector.shape_cast %get3A_67 : vector<1x64x64xf32> to vector<64x64xf32>
    %convert_element_type3A_69 = arith.truncf %get3A_68 : vector<64x64xf32> to vector<64x64xbf16>
    %dot_general3A_70 = arith.constant dense<0.000000e+00> : vector<4096x64xf32>
    %dot_general3A_71 = tpu.matmul %convert_element_type3A_63, %convert_element_type3A_69, %dot_general3A_70 {dimension_numbers = #tpu.dot_dimension_numbers<[1], [0], [0], [1], [0, 0, 1, 1], [], []>, transpose_lhs_hint = false} : vector<4096x64xbf16>, vector<64x64xbf16>, vector<4096x64xf32> -> vector<4096x64xf32>
    %mul3A_72 = arith.mulf %dot_general3A_71, %bitcast_convert_type3A_40 : vector<4096x64xf32>
    %reduce_sum3A_73 = arith.constant dense<0.000000e+00> : vector<4096xf32>
    %reduce_sum3A_74 = vector.multi_reduction <add>, %mul3A_72, %reduce_sum3A_73 [1] : vector<4096x64xf32> to vector<4096xf32>
    %broadcast_in_dim3A_75 = vector.shape_cast %reduce_sum3A_74 : vector<4096xf32> to vector<4096x1xf32>
    %mul3A_76 = arith.constant 0.166666672 : f32
    %mul3A_77 = vector.broadcast %mul3A_76 : f32 to vector<4096x1xf32>
    %mul3A_78 = arith.mulf %mul3A_77, %broadcast_in_dim3A_75 : vector<4096x1xf32>
    %add3A_79 = arith.addf %add3A, %mul3A_78 : vector<4096x1xf32>
    %convert_element_type3A_80 = arith.truncf %bitcast_convert_type3A_24 : vector<4096x64xf32> to vector<4096x64xbf16>
    %get3A_81 = arith.constant 2 : index
    %get3A_82 = arith.constant 0 : index
    %get3A_83 = arith.constant 0 : index
    %get3A_84 = vector.load %arg2[%get3A_81, %get3A_82, %get3A_83] : memref<3x64x64xf32, #tpu.memory_space<vmem>>, vector<1x64x64xf32>
    %get3A_85 = vector.shape_cast %get3A_84 : vector<1x64x64xf32> to vector<64x64xf32>
    %convert_element_type3A_86 = arith.truncf %get3A_85 : vector<64x64xf32> to vector<64x64xbf16>
    %dot_general3A_87 = arith.constant dense<0.000000e+00> : vector<4096x64xf32>
    %dot_general3A_88 = tpu.matmul %convert_element_type3A_80, %convert_element_type3A_86, %dot_general3A_87 {dimension_numbers = #tpu.dot_dimension_numbers<[1], [0], [0], [1], [0, 0, 1, 1], [], []>, transpose_lhs_hint = false} : vector<4096x64xbf16>, vector<64x64xbf16>, vector<4096x64xf32> -> vector<4096x64xf32>
    %mul3A_89 = arith.mulf %dot_general3A_88, %bitcast_convert_type3A_44 : vector<4096x64xf32>
    %reduce_sum3A_90 = arith.constant dense<0.000000e+00> : vector<4096xf32>
    %reduce_sum3A_91 = vector.multi_reduction <add>, %mul3A_89, %reduce_sum3A_90 [1] : vector<4096x64xf32> to vector<4096xf32>
    %broadcast_in_dim3A_92 = vector.shape_cast %reduce_sum3A_91 : vector<4096xf32> to vector<4096x1xf32>
    %mul3A_93 = arith.constant 0.166666672 : f32
    %mul3A_94 = vector.broadcast %mul3A_93 : f32 to vector<4096x1xf32>
    %mul3A_95 = arith.mulf %mul3A_94, %broadcast_in_dim3A_92 : vector<4096x1xf32>
    %add3A_96 = arith.addf %add3A_79, %mul3A_95 : vector<4096x1xf32>
    %swap3A = arith.constant 0 : index
    %swap3A_97 = arith.constant 0 : index
    %swap3A_98 = vector.load %arg3[%swap3A, %swap3A_97] : memref<4096x1xf32, #tpu.memory_space<vmem>>, vector<4096x1xf32>
    tpu.vector_store %arg3[%swap3A, %swap3A_97], %add3A_96 {strides = array<i32>} : memref<4096x1xf32, #tpu.memory_space<vmem>>, vector<4096x1xf32>,
    return
  }
  func.func @transform_0(%arg0: i32) -> (i32, i32, i32) {
    %c0_i32 = arith.constant 0 : i32
    %c0_i32_0 = arith.constant 0 : i32
    %c0_i32_1 = arith.constant 0 : i32
    return %c0_i32, %arg0, %c0_i32_0 : i32, i32, i32
  }
  func.func @transform_1(%arg0: i32) -> (i32, i32, i32) {
    %c0_i32 = arith.constant 0 : i32
    %c0_i32_0 = arith.constant 0 : i32
    %c0_i32_1 = arith.constant 0 : i32
    %c0_i32_2 = arith.constant 0 : i32
    return %c0_i32, %c0_i32_0, %c0_i32_1 : i32, i32, i32
  }
  func.func @transform_2(%arg0: i32) -> (i32, i32) {
    %c0_i32 = arith.constant 0 : i32
    %c0_i32_0 = arith.constant 0 : i32
    return %arg0, %c0_i32 : i32, i32
  }
}

module attributes {stable_mosaic.version = 14 : i64} {
  func.func @_transpose_body(%arg0: i32, %arg1: memref<64x4096xf32, #tpu.memory_space<vmem>>, %arg2: memref<64x4096xf32, #tpu.memory_space<vmem>>, %arg3: memref<3x64x4096xf32, #tpu.memory_space<vmem>>, %arg4: memref<3x64x4096xf32, #tpu.memory_space<vmem>>, %arg5: memref<2x4096x128xf32, #tpu.memory_space<vmem>>) attributes {dimension_semantics = [#tpu.dimension_semantics<arbitrary>], iteration_bounds = array<i64: 25>, scalar_prefetch = 0 : i64, scratch_operands = 0 : i64, tpu.core_type = #tpu.core_type<tc>, window_params = [{transform_indices = @transform_0, window_bounds = array<i64: 64, 4096>}, {transform_indices = @transform_1, window_bounds = array<i64: 64, 4096>}, {transform_indices = @transform_2, window_bounds = array<i64: 3, 64, 4096>}, {transform_indices = @transform_3, window_bounds = array<i64: 3, 64, 4096>}, {transform_indices = @transform_4, window_bounds = array<i64: 2, 4096, 128>}]} {
    %get3A = arith.constant 0 : index
    %get3A_0 = arith.constant 0 : index
    %get3A_1 = vector.load %arg1[%get3A, %get3A_0] : memref<64x4096xf32, #tpu.memory_space<vmem>>, vector<64x4096xf32>
    %get3A_2 = arith.constant 0 : index
    %get3A_3 = arith.constant 0 : index
    %get3A_4 = arith.constant 0 : index
    %get3A_5 = vector.load %arg3[%get3A_2, %get3A_3, %get3A_4] : memref<3x64x4096xf32, #tpu.memory_space<vmem>>, vector<1x64x4096xf32>
    %get3A_6 = vector.shape_cast %get3A_5 : vector<1x64x4096xf32> to vector<64x4096xf32>
    %bitcast_convert_type3A = tpu.bitcast %get3A_1 : vector<64x4096xf32> -> vector<64x4096xi32>
    %add3A = arith.constant 32767 : i32
    %add3A_7 = vector.broadcast %add3A : i32 to vector<64x4096xi32>
    %add3A_8 = arith.addi %bitcast_convert_type3A, %add3A_7 : vector<64x4096xi32>
    %shift_right_logical3A = arith.constant 16 : i32
    %shift_right_logical3A_9 = vector.broadcast %shift_right_logical3A : i32 to vector<64x4096xi32>
    %shift_right_logical3A_10 = arith.shrui %bitcast_convert_type3A, %shift_right_logical3A_9 : vector<64x4096xi32>
    %and3A = arith.constant 1 : i32
    %and3A_11 = vector.broadcast %and3A : i32 to vector<64x4096xi32>
    %and3A_12 = arith.andi %shift_right_logical3A_10, %and3A_11 : vector<64x4096xi32>
    %add3A_13 = arith.addi %add3A_8, %and3A_12 : vector<64x4096xi32>
    %and3A_14 = arith.constant -65536 : i32
    %and3A_15 = vector.broadcast %and3A_14 : i32 to vector<64x4096xi32>
    %and3A_16 = arith.andi %add3A_13, %and3A_15 : vector<64x4096xi32>
    %bitcast_convert_type3A_17 = tpu.bitcast %get3A_6 : vector<64x4096xf32> -> vector<64x4096xi32>
    %add3A_18 = arith.constant 32767 : i32
    %add3A_19 = vector.broadcast %add3A_18 : i32 to vector<64x4096xi32>
    %add3A_20 = arith.addi %bitcast_convert_type3A_17, %add3A_19 : vector<64x4096xi32>
    %shift_right_logical3A_21 = arith.constant 16 : i32
    %shift_right_logical3A_22 = vector.broadcast %shift_right_logical3A_21 : i32 to vector<64x4096xi32>
    %shift_right_logical3A_23 = arith.shrui %bitcast_convert_type3A_17, %shift_right_logical3A_22 : vector<64x4096xi32>
    %and3A_24 = arith.constant 1 : i32
    %and3A_25 = vector.broadcast %and3A_24 : i32 to vector<64x4096xi32>
    %and3A_26 = arith.andi %shift_right_logical3A_23, %and3A_25 : vector<64x4096xi32>
    %add3A_27 = arith.addi %add3A_20, %and3A_26 : vector<64x4096xi32>
    %and3A_28 = arith.constant -65536 : i32
    %and3A_29 = vector.broadcast %and3A_28 : i32 to vector<64x4096xi32>
    %and3A_30 = arith.andi %add3A_27, %and3A_29 : vector<64x4096xi32>
    %shift_right_logical3A_31 = arith.constant 16 : i32
    %shift_right_logical3A_32 = vector.broadcast %shift_right_logical3A_31 : i32 to vector<64x4096xi32>
    %shift_right_logical3A_33 = arith.shrui %and3A_30, %shift_right_logical3A_32 : vector<64x4096xi32>
    %or3A = arith.ori %and3A_16, %shift_right_logical3A_33 : vector<64x4096xi32>
    %bitcast_convert_type3A_34 = tpu.bitcast %or3A : vector<64x4096xi32> -> vector<64x4096xf32>
    %transpose3A = tpu.transpose %bitcast_convert_type3A_34, [1, 0] : vector<64x4096xf32> -> vector<4096x64xf32>
    %get3A_35 = arith.constant 1 : index
    %get3A_36 = arith.constant 0 : index
    %get3A_37 = arith.constant 0 : index
    %get3A_38 = vector.load %arg3[%get3A_35, %get3A_36, %get3A_37] : memref<3x64x4096xf32, #tpu.memory_space<vmem>>, vector<1x64x4096xf32>
    %get3A_39 = vector.shape_cast %get3A_38 : vector<1x64x4096xf32> to vector<64x4096xf32>
    %get3A_40 = arith.constant 2 : index
    %get3A_41 = arith.constant 0 : index
    %get3A_42 = arith.constant 0 : index
    %get3A_43 = vector.load %arg3[%get3A_40, %get3A_41, %get3A_42] : memref<3x64x4096xf32, #tpu.memory_space<vmem>>, vector<1x64x4096xf32>
    %get3A_44 = vector.shape_cast %get3A_43 : vector<1x64x4096xf32> to vector<64x4096xf32>
    %bitcast_convert_type3A_45 = tpu.bitcast %get3A_39 : vector<64x4096xf32> -> vector<64x4096xi32>
    %add3A_46 = arith.constant 32767 : i32
    %add3A_47 = vector.broadcast %add3A_46 : i32 to vector<64x4096xi32>
    %add3A_48 = arith.addi %bitcast_convert_type3A_45, %add3A_47 : vector<64x4096xi32>
    %shift_right_logical3A_49 = arith.constant 16 : i32
    %shift_right_logical3A_50 = vector.broadcast %shift_right_logical3A_49 : i32 to vector<64x4096xi32>
    %shift_right_logical3A_51 = arith.shrui %bitcast_convert_type3A_45, %shift_right_logical3A_50 : vector<64x4096xi32>
    %and3A_52 = arith.constant 1 : i32
    %and3A_53 = vector.broadcast %and3A_52 : i32 to vector<64x4096xi32>
    %and3A_54 = arith.andi %shift_right_logical3A_51, %and3A_53 : vector<64x4096xi32>
    %add3A_55 = arith.addi %add3A_48, %and3A_54 : vector<64x4096xi32>
    %and3A_56 = arith.constant -65536 : i32
    %and3A_57 = vector.broadcast %and3A_56 : i32 to vector<64x4096xi32>
    %and3A_58 = arith.andi %add3A_55, %and3A_57 : vector<64x4096xi32>
    %bitcast_convert_type3A_59 = tpu.bitcast %get3A_44 : vector<64x4096xf32> -> vector<64x4096xi32>
    %add3A_60 = arith.constant 32767 : i32
    %add3A_61 = vector.broadcast %add3A_60 : i32 to vector<64x4096xi32>
    %add3A_62 = arith.addi %bitcast_convert_type3A_59, %add3A_61 : vector<64x4096xi32>
    %shift_right_logical3A_63 = arith.constant 16 : i32
    %shift_right_logical3A_64 = vector.broadcast %shift_right_logical3A_63 : i32 to vector<64x4096xi32>
    %shift_right_logical3A_65 = arith.shrui %bitcast_convert_type3A_59, %shift_right_logical3A_64 : vector<64x4096xi32>
    %and3A_66 = arith.constant 1 : i32
    %and3A_67 = vector.broadcast %and3A_66 : i32 to vector<64x4096xi32>
    %and3A_68 = arith.andi %shift_right_logical3A_65, %and3A_67 : vector<64x4096xi32>
    %add3A_69 = arith.addi %add3A_62, %and3A_68 : vector<64x4096xi32>
    %and3A_70 = arith.constant -65536 : i32
    %and3A_71 = vector.broadcast %and3A_70 : i32 to vector<64x4096xi32>
    %and3A_72 = arith.andi %add3A_69, %and3A_71 : vector<64x4096xi32>
    %shift_right_logical3A_73 = arith.constant 16 : i32
    %shift_right_logical3A_74 = vector.broadcast %shift_right_logical3A_73 : i32 to vector<64x4096xi32>
    %shift_right_logical3A_75 = arith.shrui %and3A_72, %shift_right_logical3A_74 : vector<64x4096xi32>
    %or3A_76 = arith.ori %and3A_58, %shift_right_logical3A_75 : vector<64x4096xi32>
    %bitcast_convert_type3A_77 = tpu.bitcast %or3A_76 : vector<64x4096xi32> -> vector<64x4096xf32>
    %transpose3A_78 = tpu.transpose %bitcast_convert_type3A_77, [1, 0] : vector<64x4096xf32> -> vector<4096x64xf32>
    %concatenate3A = tpu.concatenate %transpose3A, %transpose3A_78 in 1 : vector<4096x64xf32>, vector<4096x64xf32> -> vector<4096x128xf32>
    %swap3A = arith.constant 0 : index
    %swap3A_79 = arith.constant 0 : index
    %swap3A_80 = arith.constant 0 : index
    %swap3A_81 = vector.load %arg5[%swap3A, %swap3A_79, %swap3A_80] : memref<2x4096x128xf32, #tpu.memory_space<vmem>>, vector<1x4096x128xf32>
    %swap3A_82 = vector.shape_cast %swap3A_81 : vector<1x4096x128xf32> to vector<4096x128xf32>
    %swap3A_83 = vector.shape_cast %concatenate3A : vector<4096x128xf32> to vector<1x4096x128xf32>
    tpu.vector_store %arg5[%swap3A, %swap3A_79, %swap3A_80], %swap3A_83 {strides = array<i32>} : memref<2x4096x128xf32, #tpu.memory_space<vmem>>, vector<1x4096x128xf32>,
    %get3A_84 = arith.constant 0 : index
    %get3A_85 = arith.constant 0 : index
    %get3A_86 = vector.load %arg2[%get3A_84, %get3A_85] : memref<64x4096xf32, #tpu.memory_space<vmem>>, vector<64x4096xf32>
    %get3A_87 = arith.constant 0 : index
    %get3A_88 = arith.constant 0 : index
    %get3A_89 = arith.constant 0 : index
    %get3A_90 = vector.load %arg4[%get3A_87, %get3A_88, %get3A_89] : memref<3x64x4096xf32, #tpu.memory_space<vmem>>, vector<1x64x4096xf32>
    %get3A_91 = vector.shape_cast %get3A_90 : vector<1x64x4096xf32> to vector<64x4096xf32>
    %bitcast_convert_type3A_92 = tpu.bitcast %get3A_86 : vector<64x4096xf32> -> vector<64x4096xi32>
    %add3A_93 = arith.constant 32767 : i32
    %add3A_94 = vector.broadcast %add3A_93 : i32 to vector<64x4096xi32>
    %add3A_95 = arith.addi %bitcast_convert_type3A_92, %add3A_94 : vector<64x4096xi32>
    %shift_right_logical3A_96 = arith.constant 16 : i32
    %shift_right_logical3A_97 = vector.broadcast %shift_right_logical3A_96 : i32 to vector<64x4096xi32>
    %shift_right_logical3A_98 = arith.shrui %bitcast_convert_type3A_92, %shift_right_logical3A_97 : vector<64x4096xi32>
    %and3A_99 = arith.constant 1 : i32
    %and3A_100 = vector.broadcast %and3A_99 : i32 to vector<64x4096xi32>
    %and3A_101 = arith.andi %shift_right_logical3A_98, %and3A_100 : vector<64x4096xi32>
    %add3A_102 = arith.addi %add3A_95, %and3A_101 : vector<64x4096xi32>
    %and3A_103 = arith.constant -65536 : i32
    %and3A_104 = vector.broadcast %and3A_103 : i32 to vector<64x4096xi32>
    %and3A_105 = arith.andi %add3A_102, %and3A_104 : vector<64x4096xi32>
    %bitcast_convert_type3A_106 = tpu.bitcast %get3A_91 : vector<64x4096xf32> -> vector<64x4096xi32>
    %add3A_107 = arith.constant 32767 : i32
    %add3A_108 = vector.broadcast %add3A_107 : i32 to vector<64x4096xi32>
    %add3A_109 = arith.addi %bitcast_convert_type3A_106, %add3A_108 : vector<64x4096xi32>
    %shift_right_logical3A_110 = arith.constant 16 : i32
    %shift_right_logical3A_111 = vector.broadcast %shift_right_logical3A_110 : i32 to vector<64x4096xi32>
    %shift_right_logical3A_112 = arith.shrui %bitcast_convert_type3A_106, %shift_right_logical3A_111 : vector<64x4096xi32>
    %and3A_113 = arith.constant 1 : i32
    %and3A_114 = vector.broadcast %and3A_113 : i32 to vector<64x4096xi32>
    %and3A_115 = arith.andi %shift_right_logical3A_112, %and3A_114 : vector<64x4096xi32>
    %add3A_116 = arith.addi %add3A_109, %and3A_115 : vector<64x4096xi32>
    %and3A_117 = arith.constant -65536 : i32
    %and3A_118 = vector.broadcast %and3A_117 : i32 to vector<64x4096xi32>
    %and3A_119 = arith.andi %add3A_116, %and3A_118 : vector<64x4096xi32>
    %shift_right_logical3A_120 = arith.constant 16 : i32
    %shift_right_logical3A_121 = vector.broadcast %shift_right_logical3A_120 : i32 to vector<64x4096xi32>
    %shift_right_logical3A_122 = arith.shrui %and3A_119, %shift_right_logical3A_121 : vector<64x4096xi32>
    %or3A_123 = arith.ori %and3A_105, %shift_right_logical3A_122 : vector<64x4096xi32>
    %bitcast_convert_type3A_124 = tpu.bitcast %or3A_123 : vector<64x4096xi32> -> vector<64x4096xf32>
    %transpose3A_125 = tpu.transpose %bitcast_convert_type3A_124, [1, 0] : vector<64x4096xf32> -> vector<4096x64xf32>
    %get3A_126 = arith.constant 1 : index
    %get3A_127 = arith.constant 0 : index
    %get3A_128 = arith.constant 0 : index
    %get3A_129 = vector.load %arg4[%get3A_126, %get3A_127, %get3A_128] : memref<3x64x4096xf32, #tpu.memory_space<vmem>>, vector<1x64x4096xf32>
    %get3A_130 = vector.shape_cast %get3A_129 : vector<1x64x4096xf32> to vector<64x4096xf32>
    %get3A_131 = arith.constant 2 : index
    %get3A_132 = arith.constant 0 : index
    %get3A_133 = arith.constant 0 : index
    %get3A_134 = vector.load %arg4[%get3A_131, %get3A_132, %get3A_133] : memref<3x64x4096xf32, #tpu.memory_space<vmem>>, vector<1x64x4096xf32>
    %get3A_135 = vector.shape_cast %get3A_134 : vector<1x64x4096xf32> to vector<64x4096xf32>
    %bitcast_convert_type3A_136 = tpu.bitcast %get3A_130 : vector<64x4096xf32> -> vector<64x4096xi32>
    %add3A_137 = arith.constant 32767 : i32
    %add3A_138 = vector.broadcast %add3A_137 : i32 to vector<64x4096xi32>
    %add3A_139 = arith.addi %bitcast_convert_type3A_136, %add3A_138 : vector<64x4096xi32>
    %shift_right_logical3A_140 = arith.constant 16 : i32
    %shift_right_logical3A_141 = vector.broadcast %shift_right_logical3A_140 : i32 to vector<64x4096xi32>
    %shift_right_logical3A_142 = arith.shrui %bitcast_convert_type3A_136, %shift_right_logical3A_141 : vector<64x4096xi32>
    %and3A_143 = arith.constant 1 : i32
    %and3A_144 = vector.broadcast %and3A_143 : i32 to vector<64x4096xi32>
    %and3A_145 = arith.andi %shift_right_logical3A_142, %and3A_144 : vector<64x4096xi32>
    %add3A_146 = arith.addi %add3A_139, %and3A_145 : vector<64x4096xi32>
    %and3A_147 = arith.constant -65536 : i32
    %and3A_148 = vector.broadcast %and3A_147 : i32 to vector<64x4096xi32>
    %and3A_149 = arith.andi %add3A_146, %and3A_148 : vector<64x4096xi32>
    %bitcast_convert_type3A_150 = tpu.bitcast %get3A_135 : vector<64x4096xf32> -> vector<64x4096xi32>
    %add3A_151 = arith.constant 32767 : i32
    %add3A_152 = vector.broadcast %add3A_151 : i32 to vector<64x4096xi32>
    %add3A_153 = arith.addi %bitcast_convert_type3A_150, %add3A_152 : vector<64x4096xi32>
    %shift_right_logical3A_154 = arith.constant 16 : i32
    %shift_right_logical3A_155 = vector.broadcast %shift_right_logical3A_154 : i32 to vector<64x4096xi32>
    %shift_right_logical3A_156 = arith.shrui %bitcast_convert_type3A_150, %shift_right_logical3A_155 : vector<64x4096xi32>
    %and3A_157 = arith.constant 1 : i32
    %and3A_158 = vector.broadcast %and3A_157 : i32 to vector<64x4096xi32>
    %and3A_159 = arith.andi %shift_right_logical3A_156, %and3A_158 : vector<64x4096xi32>
    %add3A_160 = arith.addi %add3A_153, %and3A_159 : vector<64x4096xi32>
    %and3A_161 = arith.constant -65536 : i32
    %and3A_162 = vector.broadcast %and3A_161 : i32 to vector<64x4096xi32>
    %and3A_163 = arith.andi %add3A_160, %and3A_162 : vector<64x4096xi32>
    %shift_right_logical3A_164 = arith.constant 16 : i32
    %shift_right_logical3A_165 = vector.broadcast %shift_right_logical3A_164 : i32 to vector<64x4096xi32>
    %shift_right_logical3A_166 = arith.shrui %and3A_163, %shift_right_logical3A_165 : vector<64x4096xi32>
    %or3A_167 = arith.ori %and3A_149, %shift_right_logical3A_166 : vector<64x4096xi32>
    %bitcast_convert_type3A_168 = tpu.bitcast %or3A_167 : vector<64x4096xi32> -> vector<64x4096xf32>
    %transpose3A_169 = tpu.transpose %bitcast_convert_type3A_168, [1, 0] : vector<64x4096xf32> -> vector<4096x64xf32>
    %concatenate3A_170 = tpu.concatenate %transpose3A_125, %transpose3A_169 in 1 : vector<4096x64xf32>, vector<4096x64xf32> -> vector<4096x128xf32>
    %swap3A_171 = arith.constant 1 : index
    %swap3A_172 = arith.constant 0 : index
    %swap3A_173 = arith.constant 0 : index
    %swap3A_174 = vector.load %arg5[%swap3A_171, %swap3A_172, %swap3A_173] : memref<2x4096x128xf32, #tpu.memory_space<vmem>>, vector<1x4096x128xf32>
    %swap3A_175 = vector.shape_cast %swap3A_174 : vector<1x4096x128xf32> to vector<4096x128xf32>
    %swap3A_176 = vector.shape_cast %concatenate3A_170 : vector<4096x128xf32> to vector<1x4096x128xf32>
    tpu.vector_store %arg5[%swap3A_171, %swap3A_172, %swap3A_173], %swap3A_176 {strides = array<i32>} : memref<2x4096x128xf32, #tpu.memory_space<vmem>>, vector<1x4096x128xf32>,
    return
  }
  func.func @transform_0(%arg0: i32) -> (i32, i32) {
    %c0_i32 = arith.constant 0 : i32
    %c0_i32_0 = arith.constant 0 : i32
    return %c0_i32, %arg0 : i32, i32
  }
  func.func @transform_1(%arg0: i32) -> (i32, i32) {
    %c0_i32 = arith.constant 0 : i32
    %c0_i32_0 = arith.constant 0 : i32
    return %c0_i32, %arg0 : i32, i32
  }
  func.func @transform_2(%arg0: i32) -> (i32, i32, i32) {
    %c0_i32 = arith.constant 0 : i32
    %c0_i32_0 = arith.constant 0 : i32
    %c0_i32_1 = arith.constant 0 : i32
    return %c0_i32, %c0_i32_0, %arg0 : i32, i32, i32
  }
  func.func @transform_3(%arg0: i32) -> (i32, i32, i32) {
    %c0_i32 = arith.constant 0 : i32
    %c0_i32_0 = arith.constant 0 : i32
    %c0_i32_1 = arith.constant 0 : i32
    return %c0_i32, %c0_i32_0, %arg0 : i32, i32, i32
  }
  func.func @transform_4(%arg0: i32) -> (i32, i32, i32) {
    %c0_i32 = arith.constant 0 : i32
    %c0_i32_0 = arith.constant 0 : i32
    %c0_i32_1 = arith.constant 0 : i32
    return %c0_i32, %arg0, %c0_i32_0 : i32, i32, i32
  }
}

</mosaic_0001>

<sc_bundles>
// kernel: kernel.5.cloned.1.call-start
scs
__scs_entry_jumppad:
0x0: {  	(pc) =	sbr.rel $0x88, $3  }
0x1: {  	(tag) =	ssettag $0x0;
	lr =	simm.s32 $0x1  }
0x2: {  	[smem:$0x3F9A] =	sst lr;
	_ =	strace $0xD0000000  }
0x3: {  	_ = 	snop  }
0x4: {  	_ = 	snop  }
0x5: {  	_ = 	snop  }
0x6: {  	_ = 	snop  }
0x7: {  	_ = 	snop  }
__scs_overlays_trampoline_lowered:
0x8: {  	[smem:$0x3FA9] =	sst s0  }
0x9: {  	[smem:$0x3FAA] =	sst s1  }
0xa: {  	[smem:$0x3FAB] =	sst s2  }
0xb: {  	[smem:$0x3FAC] =	sst s3  }
0xc: {  	[smem:$0x3FAD] =	sst s4  }
0xd: {  	[smem:$0x3FAE] =	sst s5  }
0xe: {  	[smem:$0x3FAF] =	sst s6  }
0xf: {  	[smem:$0x3FB0] =	sst s7  }
0x10: {  	[smem:$0x3FB1] =	sst s8  }
0x11: {  	[smem:$0x3FB2] =	sst s9;
	s0 =	simm.s32 @!p0 $0x0  }
0x12: {  	s1 =	sld [smem:$0x3F98];
	s0 =	simm.s32 @p0 $0x1  }
0x13: {  	[smem:$0x3FB3] =	sst s0;
	s0 =	simm.s32 @!p1 $0x0  }
0x14: {  	s2 =	sld [smem:$0x3F97];
	s0 =	simm.s32 @p1 $0x1  }
0x15: {  	[smem:$0x3FB4] =	sst s0;
	s0 =	simm.s32 @!p2 $0x0  }
0x16: {  	s3 =	sld [smem:$0x3FDB];
	s0 =	simm.s32 @p2 $0x1  }
0x17: {  	s4 =	simm.s32 $0x1BF5;
	[smem:$0x3FB6] =	sst s0  }
0x18: {  	s0 =	sld [smem:$0x3F99];
	_ =	swait.ge [sflag:s4], $0x0  }
0x19: {  	s7 =	sld [smem:$0x3F9A]  }
0x1a: {  	s8 =	sadd.s32 $0xFFFFE003, lr  }
0x1b: {  	s9 =	sadd.s32 $0xFFFFFEF7, lr;
	s5 =	simm.s32 $0xFFFFFFFF;
	p2 =	slt.u32 s8, $0xFFFFF086  }
0x1c: {  	p1 =	slt.u32 s9, $0xF7A;
	s5 =	simm.s32 @!p2 $0x0  }
0x1d: {  	s5 =	simm.s32 @p1 $0x1;
	p0 =	seq.s32 s7, s2  }
0x1e: {  	s7 =	smul.u32 @!p0 $0xF7A, s2;
	p2 =	seq.s32 @!p0 s5, $0x0  }
0x1f: {  	s9 =	smul.u32 $0xF7A, s1;
	s8 =	simm.s32 @!p0 $0x1BF5;
	p2 =	por !p2, p0  }
0x20: {  	[sflag:s8] =	ssyncset.s32 @!p0 $0xFFFFF086;
	s6 =	sadd.s32 @!p0 s3, s7;
	s7 =	simm.s32 @!p0 $0x108  }
0x21: {  	s3 =	sadd.s32 s3, s9;
	s6 =	sadd.s32 @!p0 $0x88, s6;
	s7 =	simm.s32 @p2 $0x1082  }
0x22: {  	[simem:s7], [sflag:s8] =	dma.local @!p0 [hbm:s6], $0xF7A  }
0x23: {  	s9 =	sor.u32 $0xD0000000, s2;
	s6 =	simm.s32 $0x108;
	_ =	swait.ge @!p0 [sflag:s8], $0x0  }
0x24: {  	s3 =	sadd.s32 $0x88, s3;
	s6 =	simm.s32 @!p1 $0x1082;
	[sflag:s4] =	ssyncset.s32 $0xFFFFF086  }
0x25: {  	[simem:s6], [sflag:s4] =	dma.local [hbm:s3], $0xF7A  }
0x26: {  	[smem:$0x3F9A] =	sst s1;
	(tag) =	ssettag s2;
	_ =	strace s9  }
0x27: {  	s1 =	sld [smem:$0x3FAA]  }
0x28: {  	s2 =	sld [smem:$0x3FAB]  }
0x29: {  	s4 =	sld [smem:$0x3FAD]  }
0x2a: {  	p0 =	seq.s32 s5, $0x0;
	s5 =	sld [smem:$0x3FAE]  }
0x2b: {  	s6 =	sld [smem:$0x3FAF]  }
0x2c: {  	s7 =	sld [smem:$0x3FB0]  }
0x2d: {  	s3 =	simm.s32 $0x108;
	s8 =	sld [smem:$0x3FB1]  }
0x2e: {  	s3 =	simm.s32 @!p0 $0x1082;
	s9 =	sld [smem:$0x3FB2]  }
0x2f: {  	lr =	sadd.s32 s0, s3;
	s0 =	sld [smem:$0x3FA9]  }
0x30: {  	s3 =	sld [smem:$0x3FAC]  }
0x31: {  	[smem:$0x3FB5] =	sst s10  }
0x32: {  	s10 =	sld [smem:$0x3FB3];
	_ =	sdelay $0x3  }
0x33: {  	p0 =	seq.s32 s10, $0x1;
	s10 =	sld [smem:$0x3FB5];
	_ =	sdelay $0x3  }
0x34: {  	[smem:$0x3FB5] =	sst s10  }
0x35: {  	s10 =	sld [smem:$0x3FB4];
	_ =	sdelay $0x3  }
0x36: {  	p1 =	seq.s32 s10, $0x1;
	s10 =	sld [smem:$0x3FB5];
	_ =	sdelay $0x3  }
0x37: {  	[smem:$0x3FB5] =	sst s10  }
0x38: {  	s10 =	sld [smem:$0x3FB6]  }
0x39: {  	_ = 	snop;
	(pc) =	sbr.ind lr, $3  }
0x3a: {  	_ = 	snop  }
0x3b: {  	_ = 	snop  }
0x3c: {  	p2 =	seq.s32 s10, $0x1;
	s10 =	sld [smem:$0x3FB5]  }
0x3d: {  	_ =	shalt  }
0x3e: {  	_ =	shalt  }
0x3f: {  	_ =	shalt  }
0x40: {  	_ =	shalt  }
0x41: {  	_ =	shalt  }
0x42: {  	_ =	shalt  }
0x43: {  	_ =	shalt  }
0x44: {  	_ =	shalt  }
0x45: {  	_ =	shalt  }
0x46: {  	_ =	shalt  }
0x47: {  	_ =	shalt  }
0x48: {  	_ =	shalt  }
0x49: {  	_ =	shalt  }
0x4a: {  	_ =	shalt  }
0x4b: {  	_ =	shalt  }
0x4c: {  	_ =	shalt  }
0x4d: {  	_ =	shalt  }
0x4e: {  	_ =	shalt  }
0x4f: {  	_ =	shalt  }
0x50: {  	_ =	shalt  }
0x51: {  	_ =	shalt  }
0x52: {  	_ =	shalt  }
0x53: {  	_ =	shalt  }
0x54: {  	_ =	shalt  }
0x55: {  	_ =	shalt  }
0x56: {  	_ =	shalt  }
0x57: {  	_ =	shalt  }
0x58: {  	_ =	shalt  }
0x59: {  	_ =	shalt  }
0x5a: {  	_ =	shalt  }
0x5b: {  	_ =	shalt  }
0x5c: {  	_ =	shalt  }
0x5d: {  	_ =	shalt  }
0x5e: {  	_ =	shalt  }
0x5f: {  	_ =	shalt  }
0x60: {  	_ =	shalt  }
0x61: {  	_ =	shalt  }
0x62: {  	_ =	shalt  }
0x63: {  	_ =	shalt  }
0x64: {  	_ =	shalt  }
0x65: {  	_ =	shalt  }
0x66: {  	_ =	shalt  }
0x67: {  	_ =	shalt  }
0x68: {  	_ =	shalt  }
0x69: {  	_ =	shalt  }
0x6a: {  	_ =	shalt  }
0x6b: {  	_ =	shalt  }
0x6c: {  	_ =	shalt  }
0x6d: {  	_ =	shalt  }
0x6e: {  	_ =	shalt  }
0x6f: {  	_ =	shalt  }
0x70: {  	_ =	shalt  }
0x71: {  	_ =	shalt  }
0x72: {  	_ =	shalt  }
0x73: {  	_ =	shalt  }
0x74: {  	_ =	shalt  }
0x75: {  	_ =	shalt  }
0x76: {  	_ =	shalt  }
0x77: {  	_ =	shalt  }
0x78: {  	_ =	shalt  }
0x79: {  	_ =	shalt  }
0x7a: {  	_ =	shalt  }
0x7b: {  	_ =	shalt  }
0x7c: {  	_ =	shalt  }
0x7d: {  	_ =	shalt  }
0x7e: {  	_ =	shalt  }
0x7f: {  	_ =	shalt  }
0x80: {  	_ =	shalt  }
0x81: {  	_ =	shalt  }
0x82: {  	_ =	shalt  }
0x83: {  	_ =	shalt  }
0x84: {  	_ =	shalt  }
0x85: {  	_ =	shalt  }
0x86: {  	_ =	shalt  }
0x87: {  	_ =	shalt  }
.Lfunc_end0:
.L_simem_size_0:
called_computation_lowered:
.L_overlay_start_0:
0x88: {  	s2 =	sld [smem:$0x3FD9]  }
0x89: {  	s3 =	sld [smem:$0x3FFE];
	_ =	sdelay $0x1  }
0x8a: {  	s1 =	srdreg.scid  }
0x8b: {  	s0 =	sand.u32 $0x1, s1  }
0x8c: {  	s16 =	sshll.u32 s0, $0xA;
	s2 =	sadd.s32 s3, s2  }
0x8d: {  	s2 =	sadd.s32 s2, s16  }
0x8e: {  	[smem:$0x3FC1] =	sst s2  }
0x8f: {  	_ = 	snop  }
0x90: {  	(tm) =	ssettm $0x1  }
0x91: {  	s17 =	sld [smem:$0x3FFB];
	_ =	sdelay $0x3  }
0x92: {  	_ =	strace s17  }
0x93: {  	s2 =	sld [smem:$0x3FFC];
	_ =	sdelay $0x3  }
0x94: {  	_ =	strace s2  }
0x95: {  	s2 =	sld [smem:$0x3FFD];
	_ =	sdelay $0x3  }
0x96: {  	_ =	strace s2  }
0x97: {  	_ =	strace $0x8FFFFFFF  }
0x98: {  	s18 =	sld [smem:$0x3FDB];
	_ =	sdelay $0x1  }
0x99: {  	s19 =	simm.s32 $_scs_section_size  }
0x9a: {  	s4 =	simm.s32 $_size__tile_overlayer_lowered;
	s5 =	simm.s32 $_tile_overlayer_lowered  }
0x9b: {  	s22 =	simm.s32 $0x1BFF;
	s21 =	sshll.u32 s5, $0x1;
	s2 =	sadd.s32 s19, s18  }
0x9c: {  	s6 =	simm.s32 $0x0;
	s20 =	sshll.u32 s4, $0x1;
	s4 =	sadd.s32 s21, s2  }
0x9d: {  	[timem:s6], [sflag:s22] =	dma.local [hbm:s4], s20  }
0x9e: {  	_ =	swait.ge [sflag:s22], s20  }
0x9f: {  	s3 =	ssub.s32 $0x0, s20;
	[sflag:s22] =	ssyncset.done $0x0  }
0xa0: {  	[sflag:s22] =	ssyncadd.s32 s3;
	_ =	sdelay $0x1  }
0xa1: {  	s23 =	simm.s32 $0x1B8B  }
0xa2: {  	_ =	swait.ge [sflag:s23], $0x1  }
0xa3: {  	[sflag:s23] =	ssyncset.done $0x0  }
0xa4: {  	s25 =	simm.s32 $0x1B8E;
	s24 =	sld [smem:$0x3FFE];
	[sflag:s23] =	ssyncadd.s32 $0xFFFFFFFF  }
0xa5: {  	s26 =	simm.s32 $execute0_lowered;
	[smem:$0x3FD2] =	sst s25  }
0xa6: {  	s4 =	sshll.u32 s26, $0x1;
	_ =	strace $0x80000046;
	[dreg:$0x1] =	wrdreg $0xFFFFFFFF  }
0xa7: {  	s28 =	simm.s32 $_size_execute0_lowered;
	s2 =	sadd.s32 s2, s4;
	[dreg:$0x0] =	wrdreg $0x0  }
0xa8: {  	s4 =	sshll.u32 s28, $0x1;
	[dreg:$0x2] =	wrdreg s2  }
0xa9: {  	[dreg:$0x3] =	wrdreg s4  }
0xaa: {  	[dreg:$0x4] =	wrdreg $0xC0  }
0xab: {  	_ =	task [dreg:s6], $0x5FFFF  }
0xac: {  	[dreg:$0x1] =	wrdreg $0xFFFFFFFF  }
0xad: {  	[dreg:$0x0] =	wrdreg $0x60  }
0xae: {  	[dreg:$0x2] =	wrdreg s24  }
0xaf: {  	[dreg:$0x3] =	wrdreg $0x9  }
0xb0: {  	_ =	task.clear_ibuf [dreg:s6], $0x4FFFF;
	_ =	strace $0x90000046  }
0xb1: {  	s29 =	simm.s32 $0x9;
	_ =	strace $0x80000048  }
0xb2: {  	_ =	swait.ge [sflag:s29], $0x1  }
0xb3: {  	[sflag:s29] =	ssyncadd.s32 $0xFFFFFFFF  }
0xb4: {  	_ =	strace $0x90000048  }
0xb5: {  	_ =	sfence  }
0xb6: {  	s30 =	sld [smem:$0x0];
	_ =	sdelay $0x2  }
0xb7: {  	s31 =	sshll.u32 s1, $0xD;
	s1 =	sshrl.u32 s1, $0x2  }
0xb8: {  	s3 =	sand.u32 $0x4000, s31;
	s1 =	sadd.s32 s1, s30  }
0xb9: {  	s0 =	sor.u32 s3, s0;
	s1 =	sshll.u32 s1, $0x11  }
0xba: {  	s0 =	sor.u32 s1, s0  }
0xbb: {  	s0 =	sadd.s32 $0x8F2B, s0  }
0xbc: {  	[sflag:s0] =	ssyncadd.remote.s32 $0x1  }
0xbd: {  	_ =	sfence.sel $0xFFFF  }
0xbe: {  	[dreg:$0x0] =	wrdreg $0xFFFFFFFF;
	(pc) =	sbr.abs _section_cstart, $3  }
0xbf: {  	[dreg:$0x1] =	wrdreg $0xFFFFFFFF  }
0xc0: {  	_ =	task.clear_ibuf [dreg:s6], $0x2FFFF;
	_ =	strace $0x9FFFFFFF  }
0xc1: {  	(tm) =	ssettm $0x7FFFFFFF  }
tec
execute0_lowered:
.L_overlay_start_1:
0x0: {  	(tag) =	ssettag $0x1  }
0x1: {  	s1 =	srdreg.scid  }
0x2: {  	s0 =	stileid.u32;
	s16 =	sand.u32 $0x1, s1  }
0x3: {  	s30 =	sshll.u32 s0, $0xA;
	s2 =	sshll.u32 s16, $0x9  }
0x4: {  	s14 =	rddreg [dreg:$0x0];
	s15 =	sor.u32 s2, s30  }
0x5: {  	s1 =	rddreg [dreg:$0x1];
	s2 =	simm.s32 $0x0;
	s3 =	sshrl.u32 s15, $0x3  }
0x6: {  	[smem:$0x7FF] =	sst s2;
	s17 =	sadd.s32 s3, s14  }
0x7: {  	_ =	strace $0x80000047;
	s3 =	simm.s32 $0x2;
	s4 =	sadd.s32 $0x200, s17  }
0x8: {  	[tilespmem:s2], [sflag:$0x2] =	stream.linear.gather [hbm4b:s4+s2], $0x200, $0x38;
	[tilespmem:$0x10200] =	vst v63  }
0x9: {  	_ =	swait.ge [sflag:s3], $0x200  }
0xa: {  	s6 =	simm.s32 $0x80;
	[sflag:s3] =	ssyncset.done $0x0  }
0xb: {  	s7 =	simm.s32 $0x200;
	s5 =	sadd.s32 $0x1200, s14;
	[sflag:s3] =	ssyncadd.s32 $0xFFFFFE00  }
0xc: {  	[tilespmem:s7], [sflag:$0x1] =	stream.indirect.gather [hbm4b:s5+s6], $0x80, s2, s6, $0xb8;
	[tilespmem:$0x10200] =	vst v63  }
0xd: {  	s8 =	simm.s32 $0x4200  }
0xe: {  	[tilespmem:s8], [sflag:$0x1] =	stream.indirect.gather [hbm4b:s5+s6], $0x80, s6, s6, $0xb8;
	[tilespmem:$0x10200] =	vst v63  }
0xf: {  	s9 =	simm.s32 $0x100;
	s10 =	simm.s32 $0x8200  }
0x10: {  	[tilespmem:s10], [sflag:$0x1] =	stream.indirect.gather [hbm4b:s5+s6], $0x80, s9, s6, $0xb8;
	[tilespmem:$0x10200] =	vst v63  }
0x11: {  	s11 =	simm.s32 $0x180;
	s12 =	simm.s32 $0xC200;
	s13 =	simm.s32 $0x1  }
0x12: {  	[tilespmem:s12], [sflag:$0x1] =	stream.indirect.gather [hbm4b:s5+s6], $0x80, s11, s6, $0xb8;
	[tilespmem:$0x10200] =	vst v63  }
0x13: {  	_ =	swait.ge [sflag:s13], $0x4000  }
0x14: {  	[sflag:s13] =	ssyncset.done $0x0  }
0x15: {  	[sflag:s13] =	ssyncadd.s32 $0xFFFFC000  }
0x16: {  	_ =	swait.ge [sflag:s13], $0x4000  }
0x17: {  	[sflag:s13] =	ssyncset.done $0x0  }
0x18: {  	[sflag:s13] =	ssyncadd.s32 $0xFFFFC000  }
0x19: {  	_ =	swait.ge [sflag:s13], $0x4000  }
0x1a: {  	[sflag:s13] =	ssyncset.done $0x0  }
0x1b: {  	[sflag:s13] =	ssyncadd.s32 $0xFFFFC000  }
0x1c: {  	s15 =	sshll.u32 s15, $0x4;
	_ =	swait.ge [sflag:s13], $0x4000  }
0x1d: {  	s18 =	sadd.s32 s15, s14;
	[sflag:s13] =	ssyncset.done $0x0  }
0x1e: {  	s14 =	sadd.s32 $0x30E600, s18;
	[sflag:s13] =	ssyncadd.s32 $0xFFFFC000  }
0x1f: {  	[hbm4b:s14+s2] =	stream.linear.scatter [tilespmem:s7], [sflag:$0x2], $0x10000, $0x38;
	[tilespmem:$0x10200] =	vst v63  }
0x20: {  	_ =	swait.ge [sflag:s3], $0x10000  }
0x21: {  	[sflag:s3] =	ssyncset.done $0x0  }
0x22: {  	s15 =	sadd.s32 $0xA00, s17;
	[sflag:s3] =	ssyncadd.s32 $0xFFFF0000  }
0x23: {  	[tilespmem:s2], [sflag:$0x2] =	stream.linear.gather [hbm4b:s15+s2], $0x200, $0x38;
	[tilespmem:$0x10200] =	vst v63  }
0x24: {  	_ =	swait.ge [sflag:s3], $0x200  }
0x25: {  	[sflag:s3] =	ssyncset.done $0x0  }
0x26: {  	[sflag:s3] =	ssyncadd.s32 $0xFFFFFE00  }
0x27: {  	[tilespmem:s7], [sflag:$0x1] =	stream.indirect.gather [hbm4b:s5+s6], $0x80, s2, s6, $0xb8;
	[tilespmem:$0x10200] =	vst v63  }
0x28: {  	_ = 	snop  }
0x29: {  	[tilespmem:s8], [sflag:$0x1] =	stream.indirect.gather [hbm4b:s5+s6], $0x80, s6, s6, $0xb8;
	[tilespmem:$0x10200] =	vst v63  }
0x2a: {  	_ = 	snop  }
0x2b: {  	[tilespmem:s10], [sflag:$0x1] =	stream.indirect.gather [hbm4b:s5+s6], $0x80, s9, s6, $0xb8;
	[tilespmem:$0x10200] =	vst v63  }
0x2c: {  	_ = 	snop  }
0x2d: {  	[tilespmem:s12], [sflag:$0x1] =	stream.indirect.gather [hbm4b:s5+s6], $0x80, s11, s6, $0xb8;
	[tilespmem:$0x10200] =	vst v63  }
0x2e: {  	_ =	swait.ge [sflag:s13], $0x4000  }
0x2f: {  	[sflag:s13] =	ssyncset.done $0x0  }
0x30: {  	[sflag:s13] =	ssyncadd.s32 $0xFFFFC000  }
0x31: {  	_ =	swait.ge [sflag:s13], $0x4000  }
0x32: {  	[sflag:s13] =	ssyncset.done $0x0  }
0x33: {  	s16 =	ssub.s32 $0x2, s16;
	[sflag:s13] =	ssyncadd.s32 $0xFFFFC000  }
0x34: {  	s31 =	sshrl.u32 s16, $0x1;
	_ =	swait.ge [sflag:s13], $0x4000  }
0x35: {  	s17 =	ssub.s32 s16, s31;
	[sflag:s13] =	ssyncset.done $0x0  }
0x36: {  	s17 =	smax.u32 s17, $0x1;
	[sflag:s13] =	ssyncadd.s32 $0xFFFFC000  }
0x37: {  	p0 =	sne.s32 s17, $0x1;
	_ =	swait.ge [sflag:s13], $0x4000  }
.Ltmp0:
0x38: {  	[sflag:s13] =	ssyncset.done $0x0;
	(pc) =	sbr.rel @!p0 .LBB2_2-.Ltmp0, $4  }
0x39: {  	s16 =	sadd.s32 $0x34E600, s18;
	[sflag:s13] =	ssyncadd.s32 $0xFFFFC000  }
0x3a: {  	[hbm4b:s16+s2] =	stream.linear.scatter [tilespmem:s7], [sflag:$0x2], $0x10000, $0x38;
	[tilespmem:$0x10200] =	vst v63  }
0x3b: {  	_ =	swait.ge [sflag:s3], $0x10000  }
0x3c: {  	s17 =	sadd.s32 $0xFFFFFFFF, s17;
	[sflag:s3] =	ssyncset.done $0x0  }
.LBB2_1:
0x3d: {  	p0 =	sne.s32 s17, $0x1;
	s17 =	sadd.s32 $0xFFFFFFFF, s17;
	[sflag:s3] =	ssyncadd.s32 $0xFFFF0000  }
0x3e: {  	[tilespmem:s2], [sflag:$0x2] =	stream.linear.gather [hbm4b:s4+s2], $0x200, $0x38;
	[tilespmem:$0x10200] =	vst v63  }
0x3f: {  	_ =	swait.ge [sflag:s3], $0x200  }
0x40: {  	[sflag:s3] =	ssyncset.done $0x0  }
0x41: {  	[sflag:s3] =	ssyncadd.s32 $0xFFFFFE00  }
0x42: {  	[tilespmem:s7], [sflag:$0x1] =	stream.indirect.gather [hbm4b:s5+s6], $0x80, s2, s6, $0xb8;
	[tilespmem:$0x10200] =	vst v63  }
0x43: {  	_ = 	snop  }
0x44: {  	[tilespmem:s8], [sflag:$0x1] =	stream.indirect.gather [hbm4b:s5+s6], $0x80, s6, s6, $0xb8;
	[tilespmem:$0x10200] =	vst v63  }
0x45: {  	_ = 	snop  }
0x46: {  	[tilespmem:s10], [sflag:$0x1] =	stream.indirect.gather [hbm4b:s5+s6], $0x80, s9, s6, $0xb8;
	[tilespmem:$0x10200] =	vst v63  }
0x47: {  	_ = 	snop  }
0x48: {  	[tilespmem:s12], [sflag:$0x1] =	stream.indirect.gather [hbm4b:s5+s6], $0x80, s11, s6, $0xb8;
	[tilespmem:$0x10200] =	vst v63  }
0x49: {  	_ =	swait.ge [sflag:s13], $0x4000  }
0x4a: {  	[sflag:s13] =	ssyncset.done $0x0  }
0x4b: {  	[sflag:s13] =	ssyncadd.s32 $0xFFFFC000  }
0x4c: {  	_ =	swait.ge [sflag:s13], $0x4000  }
0x4d: {  	[sflag:s13] =	ssyncset.done $0x0  }
0x4e: {  	[sflag:s13] =	ssyncadd.s32 $0xFFFFC000  }
0x4f: {  	_ =	swait.ge [sflag:s13], $0x4000  }
0x50: {  	[sflag:s13] =	ssyncset.done $0x0  }
0x51: {  	[sflag:s13] =	ssyncadd.s32 $0xFFFFC000  }
0x52: {  	_ =	swait.ge [sflag:s13], $0x4000  }
0x53: {  	[sflag:s13] =	ssyncset.done $0x0  }
0x54: {  	[sflag:s13] =	ssyncadd.s32 $0xFFFFC000  }
0x55: {  	[hbm4b:s14+s2] =	stream.linear.scatter [tilespmem:s7], [sflag:$0x2], $0x10000, $0x38;
	[tilespmem:$0x10200] =	vst v63  }
0x56: {  	_ =	swait.ge [sflag:s3], $0x10000  }
0x57: {  	[sflag:s3] =	ssyncset.done $0x0  }
0x58: {  	[sflag:s3] =	ssyncadd.s32 $0xFFFF0000  }
0x59: {  	[tilespmem:s2], [sflag:$0x2] =	stream.linear.gather [hbm4b:s15+s2], $0x200, $0x38;
	[tilespmem:$0x10200] =	vst v63  }
0x5a: {  	_ =	swait.ge [sflag:s3], $0x200  }
0x5b: {  	[sflag:s3] =	ssyncset.done $0x0  }
0x5c: {  	[sflag:s3] =	ssyncadd.s32 $0xFFFFFE00  }
0x5d: {  	[tilespmem:s7], [sflag:$0x1] =	stream.indirect.gather [hbm4b:s5+s6], $0x80, s2, s6, $0xb8;
	[tilespmem:$0x10200] =	vst v63  }
0x5e: {  	_ = 	snop  }
0x5f: {  	[tilespmem:s8], [sflag:$0x1] =	stream.indirect.gather [hbm4b:s5+s6], $0x80, s6, s6, $0xb8;
	[tilespmem:$0x10200] =	vst v63  }
0x60: {  	_ = 	snop  }
0x61: {  	[tilespmem:s10], [sflag:$0x1] =	stream.indirect.gather [hbm4b:s5+s6], $0x80, s9, s6, $0xb8;
	[tilespmem:$0x10200] =	vst v63  }
0x62: {  	_ = 	snop  }
0x63: {  	[tilespmem:s12], [sflag:$0x1] =	stream.indirect.gather [hbm4b:s5+s6], $0x80, s11, s6, $0xb8;
	[tilespmem:$0x10200] =	vst v63  }
0x64: {  	_ =	swait.ge [sflag:s13], $0x4000  }
0x65: {  	[sflag:s13] =	ssyncset.done $0x0  }
0x66: {  	[sflag:s13] =	ssyncadd.s32 $0xFFFFC000  }
0x67: {  	_ =	swait.ge [sflag:s13], $0x4000  }
0x68: {  	[sflag:s13] =	ssyncset.done $0x0  }
0x69: {  	[sflag:s13] =	ssyncadd.s32 $0xFFFFC000  }
0x6a: {  	_ =	swait.ge [sflag:s13], $0x4000  }
0x6b: {  	[sflag:s13] =	ssyncset.done $0x0  }
0x6c: {  	[sflag:s13] =	ssyncadd.s32 $0xFFFFC000  }
0x6d: {  	_ =	swait.ge [sflag:s13], $0x4000  }
.Ltmp1:
0x6e: {  	[sflag:s13] =	ssyncset.done $0x0;
	(pc) =	sbr.rel @p0 .LBB2_1-.Ltmp1, $4  }
0x6f: {  	[sflag:s13] =	ssyncadd.s32 $0xFFFFC000  }
0x70: {  	[hbm4b:s16+s2] =	stream.linear.scatter [tilespmem:s7], [sflag:$0x2], $0x10000, $0x38;
	[tilespmem:$0x10200] =	vst v63  }
0x71: {  	_ =	swait.ge [sflag:s3], $0x10000  }
0x72: {  	[sflag:s3] =	ssyncset.done $0x0  }
.LBB2_2:
0x73: {  	[sflag:s3] =	ssyncadd.s32 $0xFFFF0000  }
0x74: {  	_ =	sfence.sel $0x180000  }
0x75: {  	[bflag:$0x0] =	sbarrier.arrive $0xFFFF  }
0x76: {  	p0 =	sne.s32 s0, $0x0;
	_ =	strace $0x90000047  }
0x77: {  	s0 =	sadd.s32 @!p0 $0x100000, s1;
	[bflag:$0x2] =	sbarrier.arrive $0xFFFF  }
0x78: {  	[sflag:s0] =	ssyncadd.tile.s32 @!p0 $0x1;
	_ =	shalt  }
.Lfunc_end2:
_tile_overlayer_lowered:
.L_overlay_start_2:
0x79: {  	(tag) =	ssettag $0x2  }
0x7a: {  	s0 =	rddreg [dreg:$0x0];
	s2 =	stileid.u32  }
0x7b: {  	s1 =	rddreg [dreg:$0x1];
	p0 =	sne.s32 s2, $0x0  }
0x7c: {  	s3 =	rddreg [dreg:$0x2];
	[bflag:$0x3] =	sbarrier.arrive $0xFFFF;
	s2 =	simm.s32 @!p0 $0x1C02  }
0x7d: {  	[timem:s3], [sflag:s2] =	dma.local @!p0 [hbm:s0], s1  }
0x7e: {  	s0 =	simm.s32 @!p0 $0x2  }
0x7f: {  	_ =	swait.ge @!p0 [sflag:s0], s1  }
0x80: {  	s1 =	ssub.s32 @!p0 $0x0, s1;
	[sflag:s0] =	ssyncset.done @!p0 $0x0  }
0x81: {  	[sflag:s0] =	ssyncadd.s32 @!p0 s1  }
0x82: {  	[bflag:$0x3] =	sbarrier.arrive $0xFFFF  }
0x83: {  	_ =	shalt  }

</sc_bundles>
